<compile_context>
chip_gen: v7x
topology: tpu7x:2x2x1
jax: 0.10.2.dev20260603
libtpu: 0.0.44.dev20260713+nightly
codegen_flags: <defaults>
</compile_context>

<pallas_src>
import functools

import jax
import jax.numpy as jnp
from jax.experimental import pallas as pl
from jax.experimental.pallas import tpu as pltpu
from jax.experimental.pallas import tpu_sc as plsc

_Q = 7409
_D = 512
_B = 1024
_SCALE = 32.0
_MARGIN = 0.4
_HARD_NEG = 3
_C = 1024
_NB = -(-_Q // _C)
_NPAD = _NB * _C - _Q
_NEG_INF = -1e30
_NW = 32
_BPW = _B // _NW
_L = 16


def _sc_label_body(q0_hbm, q1_hbm, mask_hbm, idx_hbm,
                   g0_hbm, g1_hbm, omk_hbm,
                   idx_v, g0_v, g1_v, mk_v, sem):
    wid = jax.lax.axis_index("s") * 2 + jax.lax.axis_index("c")
    base = wid * _BPW
    pltpu.sync_copy(idx_hbm.at[pl.ds(base, _BPW)], idx_v)
    pltpu.async_copy(q0_hbm.at[idx_v], g0_v, sem).wait()
    pltpu.async_copy(q1_hbm.at[idx_v], g1_v, sem).wait()
    pltpu.async_copy(mask_hbm.at[idx_v], mk_v, sem).wait()
    pltpu.sync_copy(g0_v, g0_hbm.at[pl.ds(base, _BPW)])
    pltpu.sync_copy(g1_v, g1_hbm.at[pl.ds(base, _BPW)])
    pltpu.sync_copy(mk_v, omk_hbm.at[pl.ds(base, _BPW)])


_sc_label = functools.partial(
    pl.kernel,
    mesh=plsc.VectorSubcoreMesh(core_axis_name="c", subcore_axis_name="s"),
    out_type=[
        jax.ShapeDtypeStruct((_B, _D), jnp.float32),
        jax.ShapeDtypeStruct((_B, _D), jnp.float32),
        jax.ShapeDtypeStruct((_B, 128), jnp.float32),
    ],
    scratch_types=[
        pltpu.VMEM((_BPW,), jnp.int32),
        pltpu.VMEM((_BPW, _D), jnp.float32),
        pltpu.VMEM((_BPW, _D), jnp.float32),
        pltpu.VMEM((_BPW, 128), jnp.float32),
        pltpu.SemaphoreType.DMA,
    ],
)(_sc_label_body)


def _fold_sum8(x):
    acc = x[:, :128]
    for k in range(1, 8):
        acc = acc + x[:, 128 * k:128 * (k + 1)]
    return acc


def _tc_main_body(p_ref, q0_ref, q1_ref, mask_ref,
                  rn_ref, s1, s2, a1, b1, c1s, a2, b2, c2s, pn):
    j = pl.program_id(0)

    @pl.when(j == 0)
    def _init():
        pv = p_ref[...]
        psq = jnp.sum(pv * pv, axis=1, keepdims=True)
        rn = jax.lax.rsqrt(psq)
        rn_ref[...] = rn
        pn[...] = (pv * (_SCALE * rn)).astype(jnp.bfloat16)
        neg = jnp.full((_B, 128), _NEG_INF, jnp.bfloat16)
        zero = jnp.zeros((_B, 128), jnp.float32)
        for r in (a1, b1, c1s, a2, b2, c2s):
            r[...] = neg
        s1[...] = zero
        s2[...] = zero

    rowid = jax.lax.broadcasted_iota(jnp.int32, (_C, 1), 0) + j * _C
    rvalid = rowid < _Q
    bzero = jnp.bfloat16(0)
    q0 = jnp.where(rvalid, q0_ref[...].astype(jnp.bfloat16), bzero)
    q1 = jnp.where(rvalid, q1_ref[...].astype(jnp.bfloat16), bzero)
    mk = jnp.where(rvalid, mask_ref[...].astype(jnp.bfloat16), bzero)
    w = q0 + mk * (q1 - q0)
    pnv = pn[...]
    dn = (((1,), (1,)), ((), ()))
    z1 = jax.lax.dot_general(pnv, q0, dn, preferred_element_type=jnp.float32)
    z2 = jax.lax.dot_general(pnv, w, dn, preferred_element_type=jnp.float32)

    def update(z, s, ta, tb, tc):
        s[...] = s[...] + _fold_sum8(jnp.exp(z))
        zb = z.astype(jnp.bfloat16)
        p1 = jnp.maximum(zb[:, :512], zb[:, 512:])
        p2 = jnp.minimum(zb[:, :512], zb[:, 512:])
        u1, u2 = p1[:, :256], p2[:, :256]
        w1, w2 = p1[:, 256:], p2[:, 256:]
        hi = jnp.maximum(u1, w1)
        xx = jnp.minimum(u1, w1)
        mm = jnp.maximum(u2, w2)
        t_2 = jnp.maximum(xx, mm)
        t_3 = jnp.maximum(jnp.minimum(xx, mm), jnp.minimum(u2, w2))
        g1, g2, g3 = hi[:, :128], t_2[:, :128], t_3[:, :128]
        h1, h2, h3 = hi[:, 128:], t_2[:, 128:], t_3[:, 128:]
        n1 = jnp.maximum(g1, h1)
        xx = jnp.minimum(g1, h1)
        mm = jnp.maximum(g2, h2)
        n2 = jnp.maximum(xx, mm)
        n3 = jnp.maximum(jnp.maximum(jnp.minimum(xx, mm), jnp.minimum(g2, h2)),
                         jnp.maximum(g3, h3))
        t1v, t2v, t3v = ta[...], tb[...], tc[...]
        m1v = jnp.maximum(t1v, n1)
        x1 = jnp.minimum(t1v, n1)
        mm2 = jnp.maximum(t2v, n2)
        mn2 = jnp.minimum(t2v, n2)
        ta[...] = m1v
        tb[...] = jnp.maximum(x1, mm2)
        tc[...] = jnp.maximum(jnp.maximum(jnp.minimum(x1, mm2), mn2),
                              jnp.maximum(t3v, n3))

    update(z1, s1, a1, b1, c1s)
    update(z2, s2, a2, b2, c2s)


def _tc_combine_body(label_ref, rn_ref, s1, s2, a1, b1, c1s, a2, b2, c2s,
                     p_ref, g0_ref, g1_ref, omk_ref, out_ref):
    rnv = rn_ref[...]
    pv = p_ref[...]
    vraw0 = jnp.sum(pv * g0_ref[...], axis=1, keepdims=True)
    vraw1 = jnp.sum(pv * g1_ref[...], axis=1, keepdims=True)
    mkl = omk_ref[...][:, 0:1]
    sc = _SCALE * rnv
    vl1 = sc * vraw0
    vl2 = sc * (mkl * vraw1 + (1.0 - mkl) * vraw0)
    posf = (label_ref[...] >= 0).astype(jnp.float32)
    n_pos = jnp.sum(posf)
    n_neg = jnp.float32(_B) - n_pos
    sm = jnp.float32(_SCALE * _MARGIN)
    total = jnp.float32(0.0)
    for (s, vl, ta, tb, tc) in ((s1, vl1, a1, b1, c1s),
                                (s2, vl2, a2, b2, c2s)):
        sv = jnp.sum(s[...], axis=1, keepdims=True)
        ev = jnp.exp(vl)
        sadj = sv - jnp.float32(_NPAD) - ev + ev * jnp.exp(-sm)
        ce = jnp.log(sadj) - vl + sm
        y = jnp.maximum(jnp.concatenate([ta[...], tb[...], tc[...]], axis=1),
                        jnp.bfloat16(0))
        k1 = jnp.max(y, axis=1, keepdims=True)
        y = jnp.where(y == k1, jnp.bfloat16(0), y)
        k2 = jnp.max(y, axis=1, keepdims=True)
        y = jnp.where(y == k2, jnp.bfloat16(0), y)
        k3 = jnp.max(y, axis=1, keepdims=True)
        hard = ((k1.astype(jnp.float32) + k2.astype(jnp.float32)
                 + k3.astype(jnp.float32)) * jnp.float32(1.0 / _SCALE))
        cls = jnp.where(n_pos > 0,
                        jnp.sum(ce * posf) / jnp.maximum(n_pos, 1.0), 0.0)
        negl = jnp.where(n_neg > 0,
                         jnp.sum(hard * (1.0 - posf))
                         / jnp.maximum(n_neg * _HARD_NEG, 1.0), 0.0)
        total = total + cls + negl
    out_ref[...] = jnp.reshape(total, (1, 1))


@functools.partial(jax.jit, static_argnames=())
def kernel(p, queue, mask, label):
    label2d = label.astype(jnp.int32).reshape(_B, 1)
    safe = jnp.where(label < 0, 0, label).astype(jnp.int32)
    q0 = queue[0]
    q1 = queue[1]
    maskg = jnp.broadcast_to(mask, (_Q, 128))
    g0, g1, omk = _sc_label(q0, q1, maskg, safe)

    accf = lambda: pl.BlockSpec((_B, 128), lambda j: (0, 0))
    full = lambda r, c: pl.BlockSpec((r, c), lambda j: (0, 0))
    acc_ty_f = jax.ShapeDtypeStruct((_B, 128), jnp.float32)
    acc_ty_b = jax.ShapeDtypeStruct((_B, 128), jnp.bfloat16)
    rn, s1o, s2o, t1a, t1b, t1c, t2a, t2b, t2c = pl.pallas_call(
        _tc_main_body,
        grid=(_NB,),
        in_specs=[
            full(_B, _D),
            pl.BlockSpec((_C, _D), lambda j: (j, 0)),
            pl.BlockSpec((_C, _D), lambda j: (j, 0)),
            pl.BlockSpec((_C, 1), lambda j: (j, 0)),
        ],
        out_specs=(full(_B, 1),) + (accf(),) * 8,
        out_shape=(jax.ShapeDtypeStruct((_B, 1), jnp.float32),
                   acc_ty_f, acc_ty_f,
                   acc_ty_b, acc_ty_b, acc_ty_b,
                   acc_ty_b, acc_ty_b, acc_ty_b),
        scratch_shapes=[pltpu.VMEM((_B, _D), jnp.bfloat16)],
        compiler_params=pltpu.CompilerParams(
            dimension_semantics=("arbitrary",)),
    )(p, q0, q1, mask)

    cfull = lambda r, c: pl.BlockSpec((r, c), lambda: (0, 0))
    out = pl.pallas_call(
        _tc_combine_body,
        in_specs=[
            cfull(_B, 1), cfull(_B, 1),
            cfull(_B, 128), cfull(_B, 128),
            cfull(_B, 128), cfull(_B, 128), cfull(_B, 128),
            cfull(_B, 128), cfull(_B, 128), cfull(_B, 128),
            cfull(_B, _D), cfull(_B, _D), cfull(_B, _D), cfull(_B, 128),
        ],
        out_specs=cfull(1, 1),
        out_shape=jax.ShapeDtypeStruct((1, 1), jnp.float32),
    )(label2d, rn, s1o, s2o, t1a, t1b, t1c, t2a, t2b, t2c,
      p, g0, g1, omk)
    return out[0, 0]

# --- scband reference (transcript-rebuilt; emitter-appended) ---
"""Pipeline reference for scband-ffc-48799418417396 (READ-ONLY COPY).

The authoritative reference and input builder live on the scoring server;
editing this copy changes nothing except your own understanding.
"""

import jax, jax.numpy as jnp
import numpy as np

QUEUE_SIZE = 7409
FEAT_DIM = 512
BATCH = 1024
SCALE = 32.0
MARGIN = 0.4
# hard_neg = min(max(int(queue_size * 0.0002), 3), 10) = 3 for queue_size=7409
HARD_NEG = min(max(int(QUEUE_SIZE * 0.0002), 3), 10)


def setup_inputs(seed: int = 0) -> dict:
    key = jax.random.key(seed)
    k1, k2, k3, k4, k5 = jax.random.split(key, 5)
    p = jax.random.normal(k1, (BATCH, FEAT_DIM), dtype=jnp.float32)
    queue = jax.random.normal(k2, (2, QUEUE_SIZE, FEAT_DIM), dtype=jnp.float32)
    queue = queue / jnp.linalg.norm(queue, axis=2, keepdims=True)
    # binary mask buffer selecting queue row 1 vs row 0 per DCP slot
    mask = (jax.random.uniform(k3, (QUEUE_SIZE, 1)) < 0.1).astype(jnp.float32)
    label = jax.random.randint(k4, (BATCH,), 0, QUEUE_SIZE)
    # ~10% outliers get fake label -1 (not present in DCP)
    outlier = jax.random.uniform(k5, (BATCH,)) < 0.1
    label = jnp.where(outlier, -1, label)
    return {"p": p, "queue": queue, "mask": mask, "label": label}


def _add_margin_am(cos_theta, label):
    Q = cos_theta.shape[1]
    pos = (label != -1)
    safe_label = jnp.where(pos, label, 0)
    onehot = jax.nn.one_hot(safe_label, Q, dtype=cos_theta.dtype)
    # scatter_(1, label, gt - margin)  ==  cos_theta - margin * onehot at gt column
    logits = (cos_theta - MARGIN * onehot) * SCALE
    logp = jax.nn.log_softmax(logits, axis=1)
    ce = -jnp.take_along_axis(logp, safe_label[:, None], axis=1)[:, 0]
    n_pos = jnp.sum(pos.astype(jnp.float32))
    cls_loss = jnp.where(n_pos > 0, jnp.sum(ce * pos.astype(ce.dtype)) / jnp.maximum(n_pos, 1.0), 0.0)
    # hard negatives: top-HARD_NEG similarities on outlier rows, clipped at 0, averaged
    topv, _ = jax.lax.top_k(cos_theta, HARD_NEG)
    hard = jnp.clip(topv, 0.0, None)
    neg = (~pos).astype(cos_theta.dtype)
    n_neg = jnp.sum(neg)
    neg_loss = jnp.where(n_neg > 0, jnp.sum(hard * neg[:, None]) / jnp.maximum(n_neg * HARD_NEG, 1.0), 0.0)
    return cls_loss + neg_loss


def reference(p, queue, mask, label):
    # probe_net output features are L2-normalized so F.linear gives cosine
    pn = p / jnp.linalg.norm(p, axis=1, keepdims=True)
    cos_theta1 = pn @ queue[0].T
    # weight = mask * queue[1] + (1 - mask) * queue[0]
    weight = mask * queue[1] + (1.0 - mask) * queue[0]
    cos_theta2 = pn @ weight.T
    loss = _add_margin_am(cos_theta1, label) + _add_margin_am(cos_theta2, label)
    return loss

if __name__ == "__main__":
    import jax
    _d = setup_inputs()
    print(jax.jit(kernel)(*tuple(_d.values())))

</pallas_src>

<mosaic_0001>
#map = affine_map<(d0, d1) -> (0, 0)>
#map1 = affine_map<(d0, d1) -> (0)>
module attributes {stable_mosaic.version = 14 : i64} {
  func.func @_sc_label_body(%arg0: i32, %arg1: i32, %arg2: memref<7409x512xf32, #tpu.memory_space<hbm>>, %arg3: memref<7409x512xf32, #tpu.memory_space<hbm>>, %arg4: memref<7409x128xf32, #tpu.memory_space<hbm>>, %arg5: memref<1024xi32, #tpu.memory_space<hbm>>, %arg6: memref<1024x512xf32, #tpu.memory_space<hbm>>, %arg7: memref<1024x512xf32, #tpu.memory_space<hbm>>, %arg8: memref<1024x128xf32, #tpu.memory_space<hbm>>, %arg9: memref<32xi32, #tpu.memory_space<vmem>>, %arg10: memref<32x512xf32, #tpu.memory_space<vmem>>, %arg11: memref<32x512xf32, #tpu.memory_space<vmem>>, %arg12: memref<32x128xf32, #tpu.memory_space<vmem>>, %arg13: memref<!tpu.dma_semaphore, #tpu.memory_space<semaphore_mem>>) attributes {dimension_semantics = [#tpu.dimension_semantics<core_parallel>, #tpu.dimension_semantics<subcore_parallel>], iteration_bounds = array<i64: 2, 16>, scalar_prefetch = 0 : i64, scratch_operands = 5 : i64, tpu.core_type = #tpu.core_type<sc_vector_subcore>, window_params = [{transform_indices = #map}, {transform_indices = #map}, {transform_indices = #map}, {transform_indices = #map1}, {transform_indices = #map}, {transform_indices = #map}, {transform_indices = #map}]} {
    %mul3A = arith.constant 2 : i32
    %mul3A_0 = arith.muli %arg1, %mul3A : i32
    %add3A = arith.addi %mul3A_0, %arg0 : i32
    %mul3A_1 = arith.constant 32 : i32
    %mul3A_2 = arith.muli %add3A, %mul3A_1 : i32
    "tpu.region"() ({
      %run_scoped3A = tpu.sem_alloc : memref<!tpu.dma_semaphore, #tpu.memory_space<semaphore_mem>>
      %dma_start3A_19 = tpu.memref_slice %arg5[%mul3A_2] : memref<1024xi32, #tpu.memory_space<hbm>> -> memref<32xi32, #tpu.memory_space<hbm>>
      %dma_start3A_20 = tpu.memref_slice %arg5[%mul3A_2] : memref<1024xi32, #tpu.memory_space<hbm>> -> memref<32xi32, #tpu.memory_space<hbm>>
      tpu.enqueue_dma source(%dma_start3A_20 : memref<32xi32, #tpu.memory_space<hbm>>) target(%arg9 : memref<32xi32, #tpu.memory_space<vmem>>) target_semaphore(%run_scoped3A : memref<!tpu.dma_semaphore, #tpu.memory_space<semaphore_mem>>)
      %dma_wait3A_21 = tpu.memref_slice %arg5[%mul3A_2] : memref<1024xi32, #tpu.memory_space<hbm>> -> memref<32xi32, #tpu.memory_space<hbm>>
      %dma_wait3A_22 = tpu.memref_slice %arg5[%mul3A_2] : memref<1024xi32, #tpu.memory_space<hbm>> -> memref<32xi32, #tpu.memory_space<hbm>>
      tpu.wait_dma2 semaphore(%run_scoped3A : memref<!tpu.dma_semaphore, #tpu.memory_space<semaphore_mem>>) src(%dma_wait3A_22 : memref<32xi32, #tpu.memory_space<hbm>>) dst(%arg9 : memref<32xi32, #tpu.memory_space<vmem>>)
      tpu.yield
    }) : () -> ()
    %dma_start3A = arith.constant 0 : i32
    %dma_start3A_3 = arith.constant 0 : i32
    %dma_start3A_4 = tpu.memref_slice %arg2[%dma_start3A, %dma_start3A_3] : memref<7409x512xf32, #tpu.memory_space<hbm>> -> memref<7409x512xf32, #tpu.memory_space<hbm>>
    tpu.enqueue_indirect_dma source(%dma_start3A_4 : memref<7409x512xf32, #tpu.memory_space<hbm>>) target(%arg10 : memref<32x512xf32, #tpu.memory_space<vmem>>) offsets(%arg9 : memref<32xi32, #tpu.memory_space<vmem>>) semaphore(%arg13 : memref<!tpu.dma_semaphore, #tpu.memory_space<semaphore_mem>>)
    %dma_wait3A = arith.constant 0 : i32
    %dma_wait3A_5 = arith.constant 0 : i32
    %dma_wait3A_6 = tpu.memref_slice %arg2[%dma_wait3A, %dma_wait3A_5] : memref<7409x512xf32, #tpu.memory_space<hbm>> -> memref<7409x512xf32, #tpu.memory_space<hbm>>
    tpu.wait_indirect_dma semaphore(%arg13 : memref<!tpu.dma_semaphore, #tpu.memory_space<semaphore_mem>>) src(%dma_wait3A_6 : memref<7409x512xf32, #tpu.memory_space<hbm>>) dst(%arg10 : memref<32x512xf32, #tpu.memory_space<vmem>>)
    %dma_start3A_7 = arith.constant 0 : i32
    %dma_start3A_8 = arith.constant 0 : i32
    %dma_start3A_9 = tpu.memref_slice %arg3[%dma_start3A_7, %dma_start3A_8] : memref<7409x512xf32, #tpu.memory_space<hbm>> -> memref<7409x512xf32, #tpu.memory_space<hbm>>
    tpu.enqueue_indirect_dma source(%dma_start3A_9 : memref<7409x512xf32, #tpu.memory_space<hbm>>) target(%arg11 : memref<32x512xf32, #tpu.memory_space<vmem>>) offsets(%arg9 : memref<32xi32, #tpu.memory_space<vmem>>) semaphore(%arg13 : memref<!tpu.dma_semaphore, #tpu.memory_space<semaphore_mem>>)
    %dma_wait3A_10 = arith.constant 0 : i32
    %dma_wait3A_11 = arith.constant 0 : i32
    %dma_wait3A_12 = tpu.memref_slice %arg3[%dma_wait3A_10, %dma_wait3A_11] : memref<7409x512xf32, #tpu.memory_space<hbm>> -> memref<7409x512xf32, #tpu.memory_space<hbm>>
    tpu.wait_indirect_dma semaphore(%arg13 : memref<!tpu.dma_semaphore, #tpu.memory_space<semaphore_mem>>) src(%dma_wait3A_12 : memref<7409x512xf32, #tpu.memory_space<hbm>>) dst(%arg11 : memref<32x512xf32, #tpu.memory_space<vmem>>)
    %dma_start3A_13 = arith.constant 0 : i32
    %dma_start3A_14 = arith.constant 0 : i32
    %dma_start3A_15 = tpu.memref_slice %arg4[%dma_start3A_13, %dma_start3A_14] : memref<7409x128xf32, #tpu.memory_space<hbm>> -> memref<7409x128xf32, #tpu.memory_space<hbm>>
    tpu.enqueue_indirect_dma source(%dma_start3A_15 : memref<7409x128xf32, #tpu.memory_space<hbm>>) target(%arg12 : memref<32x128xf32, #tpu.memory_space<vmem>>) offsets(%arg9 : memref<32xi32, #tpu.memory_space<vmem>>) semaphore(%arg13 : memref<!tpu.dma_semaphore, #tpu.memory_space<semaphore_mem>>)
    %dma_wait3A_16 = arith.constant 0 : i32
    %dma_wait3A_17 = arith.constant 0 : i32
    %dma_wait3A_18 = tpu.memref_slice %arg4[%dma_wait3A_16, %dma_wait3A_17] : memref<7409x128xf32, #tpu.memory_space<hbm>> -> memref<7409x128xf32, #tpu.memory_space<hbm>>
    tpu.wait_indirect_dma semaphore(%arg13 : memref<!tpu.dma_semaphore, #tpu.memory_space<semaphore_mem>>) src(%dma_wait3A_18 : memref<7409x128xf32, #tpu.memory_space<hbm>>) dst(%arg12 : memref<32x128xf32, #tpu.memory_space<vmem>>)
    "tpu.region"() ({
      %run_scoped3A = tpu.sem_alloc : memref<!tpu.dma_semaphore, #tpu.memory_space<semaphore_mem>>
      %dma_start3A_19 = arith.constant 0 : i32
      %dma_start3A_20 = tpu.memref_slice %arg6[%mul3A_2, %dma_start3A_19] : memref<1024x512xf32, #tpu.memory_space<hbm>> -> memref<32x512xf32, #tpu.memory_space<hbm>>
      %dma_start3A_21 = arith.constant 0 : i32
      %dma_start3A_22 = tpu.memref_slice %arg6[%mul3A_2, %dma_start3A_21] : memref<1024x512xf32, #tpu.memory_space<hbm>> -> memref<32x512xf32, #tpu.memory_space<hbm>>
      tpu.enqueue_dma source(%arg10 : memref<32x512xf32, #tpu.memory_space<vmem>>) target(%dma_start3A_22 : memref<32x512xf32, #tpu.memory_space<hbm>>) target_semaphore(%run_scoped3A : memref<!tpu.dma_semaphore, #tpu.memory_space<semaphore_mem>>)
      %dma_wait3A_23 = arith.constant 0 : i32
      %dma_wait3A_24 = tpu.memref_slice %arg6[%mul3A_2, %dma_wait3A_23] : memref<1024x512xf32, #tpu.memory_space<hbm>> -> memref<32x512xf32, #tpu.memory_space<hbm>>
      %dma_wait3A_25 = arith.constant 0 : i32
      %dma_wait3A_26 = tpu.memref_slice %arg6[%mul3A_2, %dma_wait3A_25] : memref<1024x512xf32, #tpu.memory_space<hbm>> -> memref<32x512xf32, #tpu.memory_space<hbm>>
      tpu.wait_dma2 semaphore(%run_scoped3A : memref<!tpu.dma_semaphore, #tpu.memory_space<semaphore_mem>>) src(%arg10 : memref<32x512xf32, #tpu.memory_space<vmem>>) dst(%dma_wait3A_26 : memref<32x512xf32, #tpu.memory_space<hbm>>)
      tpu.yield
    }) : () -> ()
    "tpu.region"() ({
      %run_scoped3A = tpu.sem_alloc : memref<!tpu.dma_semaphore, #tpu.memory_space<semaphore_mem>>
      %dma_start3A_19 = arith.constant 0 : i32
      %dma_start3A_20 = tpu.memref_slice %arg7[%mul3A_2, %dma_start3A_19] : memref<1024x512xf32, #tpu.memory_space<hbm>> -> memref<32x512xf32, #tpu.memory_space<hbm>>
      %dma_start3A_21 = arith.constant 0 : i32
      %dma_start3A_22 = tpu.memref_slice %arg7[%mul3A_2, %dma_start3A_21] : memref<1024x512xf32, #tpu.memory_space<hbm>> -> memref<32x512xf32, #tpu.memory_space<hbm>>
      tpu.enqueue_dma source(%arg11 : memref<32x512xf32, #tpu.memory_space<vmem>>) target(%dma_start3A_22 : memref<32x512xf32, #tpu.memory_space<hbm>>) target_semaphore(%run_scoped3A : memref<!tpu.dma_semaphore, #tpu.memory_space<semaphore_mem>>)
      %dma_wait3A_23 = arith.constant 0 : i32
      %dma_wait3A_24 = tpu.memref_slice %arg7[%mul3A_2, %dma_wait3A_23] : memref<1024x512xf32, #tpu.memory_space<hbm>> -> memref<32x512xf32, #tpu.memory_space<hbm>>
      %dma_wait3A_25 = arith.constant 0 : i32
      %dma_wait3A_26 = tpu.memref_slice %arg7[%mul3A_2, %dma_wait3A_25] : memref<1024x512xf32, #tpu.memory_space<hbm>> -> memref<32x512xf32, #tpu.memory_space<hbm>>
      tpu.wait_dma2 semaphore(%run_scoped3A : memref<!tpu.dma_semaphore, #tpu.memory_space<semaphore_mem>>) src(%arg11 : memref<32x512xf32, #tpu.memory_space<vmem>>) dst(%dma_wait3A_26 : memref<32x512xf32, #tpu.memory_space<hbm>>)
      tpu.yield
    }) : () -> ()
    "tpu.region"() ({
      %run_scoped3A = tpu.sem_alloc : memref<!tpu.dma_semaphore, #tpu.memory_space<semaphore_mem>>
      %dma_start3A_19 = arith.constant 0 : i32
      %dma_start3A_20 = tpu.memref_slice %arg8[%mul3A_2, %dma_start3A_19] : memref<1024x128xf32, #tpu.memory_space<hbm>> -> memref<32x128xf32, #tpu.memory_space<hbm>>
      %dma_start3A_21 = arith.constant 0 : i32
      %dma_start3A_22 = tpu.memref_slice %arg8[%mul3A_2, %dma_start3A_21] : memref<1024x128xf32, #tpu.memory_space<hbm>> -> memref<32x128xf32, #tpu.memory_space<hbm>>
      tpu.enqueue_dma source(%arg12 : memref<32x128xf32, #tpu.memory_space<vmem>>) target(%dma_start3A_22 : memref<32x128xf32, #tpu.memory_space<hbm>>) target_semaphore(%run_scoped3A : memref<!tpu.dma_semaphore, #tpu.memory_space<semaphore_mem>>)
      %dma_wait3A_23 = arith.constant 0 : i32
      %dma_wait3A_24 = tpu.memref_slice %arg8[%mul3A_2, %dma_wait3A_23] : memref<1024x128xf32, #tpu.memory_space<hbm>> -> memref<32x128xf32, #tpu.memory_space<hbm>>
      %dma_wait3A_25 = arith.constant 0 : i32
      %dma_wait3A_26 = tpu.memref_slice %arg8[%mul3A_2, %dma_wait3A_25] : memref<1024x128xf32, #tpu.memory_space<hbm>> -> memref<32x128xf32, #tpu.memory_space<hbm>>
      tpu.wait_dma2 semaphore(%run_scoped3A : memref<!tpu.dma_semaphore, #tpu.memory_space<semaphore_mem>>) src(%arg12 : memref<32x128xf32, #tpu.memory_space<vmem>>) dst(%dma_wait3A_26 : memref<32x128xf32, #tpu.memory_space<hbm>>)
      tpu.yield
    }) : () -> ()
    return
  }
}

module attributes {stable_mosaic.version = 14 : i64} {
  func.func @_tc_main_body(%arg0: i32, %arg1: memref<1024x512xf32, #tpu.memory_space<vmem>>, %arg2: memref<1024x512xf32, #tpu.memory_space<vmem>>, %arg3: memref<1024x512xf32, #tpu.memory_space<vmem>>, %arg4: memref<1024x1xf32, #tpu.memory_space<vmem>>, %arg5: memref<1024x1xf32, #tpu.memory_space<vmem>>, %arg6: memref<1024x128xf32, #tpu.memory_space<vmem>>, %arg7: memref<1024x128xf32, #tpu.memory_space<vmem>>, %arg8: memref<1024x128xbf16, #tpu.memory_space<vmem>>, %arg9: memref<1024x128xbf16, #tpu.memory_space<vmem>>, %arg10: memref<1024x128xbf16, #tpu.memory_space<vmem>>, %arg11: memref<1024x128xbf16, #tpu.memory_space<vmem>>, %arg12: memref<1024x128xbf16, #tpu.memory_space<vmem>>, %arg13: memref<1024x128xbf16, #tpu.memory_space<vmem>>, %arg14: memref<1024x512xbf16, #tpu.memory_space<vmem>>) attributes {dimension_semantics = [#tpu.dimension_semantics<arbitrary>], iteration_bounds = array<i64: 8>, scalar_prefetch = 0 : i64, scratch_operands = 1 : i64, tpu.core_type = #tpu.core_type<tc>, window_params = [{pipeline_mode = #tpu.pipeline_mode<synchronous>, transform_indices = @transform_0, window_bounds = array<i64: 1024, 512>}, {transform_indices = @transform_1, window_bounds = array<i64: 1024, 512>}, {transform_indices = @transform_2, window_bounds = array<i64: 1024, 512>}, {transform_indices = @transform_3, window_bounds = array<i64: 1024, 1>}, {pipeline_mode = #tpu.pipeline_mode<synchronous>, transform_indices = @transform_4, window_bounds = array<i64: 1024, 1>}, {pipeline_mode = #tpu.pipeline_mode<synchronous>, transform_indices = @transform_5, window_bounds = array<i64: 1024, 128>}, {pipeline_mode = #tpu.pipeline_mode<synchronous>, transform_indices = @transform_6, window_bounds = array<i64: 1024, 128>}, {pipeline_mode = #tpu.pipeline_mode<synchronous>, transform_indices = @transform_7, window_bounds = array<i64: 1024, 128>}, {pipeline_mode = #tpu.pipeline_mode<synchronous>, transform_indices = @transform_8, window_bounds = array<i64: 1024, 128>}, {pipeline_mode = #tpu.pipeline_mode<synchronous>, transform_indices = @transform_9, window_bounds = array<i64: 1024, 128>}, {pipeline_mode = #tpu.pipeline_mode<synchronous>, transform_indices = @transform_10, window_bounds = array<i64: 1024, 128>}, {pipeline_mode = #tpu.pipeline_mode<synchronous>, transform_indices = @transform_11, window_bounds = array<i64: 1024, 128>}, {pipeline_mode = #tpu.pipeline_mode<synchronous>, transform_indices = @transform_12, window_bounds = array<i64: 1024, 128>}]} {
    %eq3A = arith.constant 0 : i32
    %eq3A_0 = arith.cmpi eq, %arg0, %eq3A : i32
    %convert_element_type3A = arith.extui %eq3A_0 : i1 to i32
    %cond3A = arith.constant 0 : i32
    %cond3A_1 = arith.cmpi ne, %convert_element_type3A, %cond3A : i32
    scf.if %cond3A_1 {
      %get3A_197 = arith.constant 0 : index
      %get3A_198 = arith.constant 0 : index
      %get3A_199 = vector.load %arg1[%get3A_197, %get3A_198] : memref<1024x512xf32, #tpu.memory_space<vmem>>, vector<1024x512xf32>
      %mul3A_200 = arith.mulf %get3A_199, %get3A_199 : vector<1024x512xf32>
      %reduce_sum3A = arith.constant dense<0.000000e+00> : vector<1024xf32>
      %reduce_sum3A_201 = vector.multi_reduction <add>, %mul3A_200, %reduce_sum3A [1] : vector<1024x512xf32> to vector<1024xf32>
      %broadcast_in_dim3A_202 = vector.shape_cast %reduce_sum3A_201 : vector<1024xf32> to vector<1024x1xf32>
      %rsqrt3A = math.rsqrt %broadcast_in_dim3A_202 : vector<1024x1xf32>
      %swap3A_203 = arith.constant 0 : index
      %swap3A_204 = arith.constant 0 : index
      %swap3A_205 = vector.load %arg5[%swap3A_203, %swap3A_204] : memref<1024x1xf32, #tpu.memory_space<vmem>>, vector<1024x1xf32>
      tpu.vector_store %arg5[%swap3A_203, %swap3A_204], %rsqrt3A {strides = array<i32>} : memref<1024x1xf32, #tpu.memory_space<vmem>>, vector<1024x1xf32>,
      %mul3A_206 = arith.constant 3.200000e+01 : f32
      %mul3A_207 = vector.broadcast %mul3A_206 : f32 to vector<1024x1xf32>
      %mul3A_208 = arith.mulf %mul3A_207, %rsqrt3A : vector<1024x1xf32>
      %mul3A_209 = vector.broadcast %mul3A_208 : vector<1024x1xf32> to vector<1024x512xf32>
      %mul3A_210 = arith.mulf %get3A_199, %mul3A_209 : vector<1024x512xf32>
      %convert_element_type3A_211 = arith.truncf %mul3A_210 : vector<1024x512xf32> to vector<1024x512xbf16>
      %swap3A_212 = arith.constant 0 : index
      %swap3A_213 = arith.constant 0 : index
      %swap3A_214 = vector.load %arg14[%swap3A_212, %swap3A_213] : memref<1024x512xbf16, #tpu.memory_space<vmem>>, vector<1024x512xbf16>
      tpu.vector_store %arg14[%swap3A_212, %swap3A_213], %convert_element_type3A_211 {strides = array<i32>} : memref<1024x512xbf16, #tpu.memory_space<vmem>>, vector<1024x512xbf16>,
      %broadcast_in_dim3A_215 = arith.constant -1.000260e+30 : bf16
      %broadcast_in_dim3A_216 = vector.broadcast %broadcast_in_dim3A_215 : bf16 to vector<1024x128xbf16>
      %broadcast_in_dim3A_217 = arith.constant 0.000000e+00 : f32
      %broadcast_in_dim3A_218 = vector.broadcast %broadcast_in_dim3A_217 : f32 to vector<1024x128xf32>
      %swap3A_219 = arith.constant 0 : index
      %swap3A_220 = arith.constant 0 : index
      %swap3A_221 = vector.load %arg8[%swap3A_219, %swap3A_220] : memref<1024x128xbf16, #tpu.memory_space<vmem>>, vector<1024x128xbf16>
      tpu.vector_store %arg8[%swap3A_219, %swap3A_220], %broadcast_in_dim3A_216 {strides = array<i32>} : memref<1024x128xbf16, #tpu.memory_space<vmem>>, vector<1024x128xbf16>,
      %swap3A_222 = arith.constant 0 : index
      %swap3A_223 = arith.constant 0 : index
      %swap3A_224 = vector.load %arg9[%swap3A_222, %swap3A_223] : memref<1024x128xbf16, #tpu.memory_space<vmem>>, vector<1024x128xbf16>
      tpu.vector_store %arg9[%swap3A_222, %swap3A_223], %broadcast_in_dim3A_216 {strides = array<i32>} : memref<1024x128xbf16, #tpu.memory_space<vmem>>, vector<1024x128xbf16>,
      %swap3A_225 = arith.constant 0 : index
      %swap3A_226 = arith.constant 0 : index
      %swap3A_227 = vector.load %arg10[%swap3A_225, %swap3A_226] : memref<1024x128xbf16, #tpu.memory_space<vmem>>, vector<1024x128xbf16>
      tpu.vector_store %arg10[%swap3A_225, %swap3A_226], %broadcast_in_dim3A_216 {strides = array<i32>} : memref<1024x128xbf16, #tpu.memory_space<vmem>>, vector<1024x128xbf16>,
      %swap3A_228 = arith.constant 0 : index
      %swap3A_229 = arith.constant 0 : index
      %swap3A_230 = vector.load %arg11[%swap3A_228, %swap3A_229] : memref<1024x128xbf16, #tpu.memory_space<vmem>>, vector<1024x128xbf16>
      tpu.vector_store %arg11[%swap3A_228, %swap3A_229], %broadcast_in_dim3A_216 {strides = array<i32>} : memref<1024x128xbf16, #tpu.memory_space<vmem>>, vector<1024x128xbf16>,
      %swap3A_231 = arith.constant 0 : index
      %swap3A_232 = arith.constant 0 : index
      %swap3A_233 = vector.load %arg12[%swap3A_231, %swap3A_232] : memref<1024x128xbf16, #tpu.memory_space<vmem>>, vector<1024x128xbf16>
      tpu.vector_store %arg12[%swap3A_231, %swap3A_232], %broadcast_in_dim3A_216 {strides = array<i32>} : memref<1024x128xbf16, #tpu.memory_space<vmem>>, vector<1024x128xbf16>,
      %swap3A_234 = arith.constant 0 : index
      %swap3A_235 = arith.constant 0 : index
      %swap3A_236 = vector.load %arg13[%swap3A_234, %swap3A_235] : memref<1024x128xbf16, #tpu.memory_space<vmem>>, vector<1024x128xbf16>
      tpu.vector_store %arg13[%swap3A_234, %swap3A_235], %broadcast_in_dim3A_216 {strides = array<i32>} : memref<1024x128xbf16, #tpu.memory_space<vmem>>, vector<1024x128xbf16>,
      %swap3A_237 = arith.constant 0 : index
      %swap3A_238 = arith.constant 0 : index
      %swap3A_239 = vector.load %arg6[%swap3A_237, %swap3A_238] : memref<1024x128xf32, #tpu.memory_space<vmem>>, vector<1024x128xf32>
      tpu.vector_store %arg6[%swap3A_237, %swap3A_238], %broadcast_in_dim3A_218 {strides = array<i32>} : memref<1024x128xf32, #tpu.memory_space<vmem>>, vector<1024x128xf32>,
      %swap3A_240 = arith.constant 0 : index
      %swap3A_241 = arith.constant 0 : index
      %swap3A_242 = vector.load %arg7[%swap3A_240, %swap3A_241] : memref<1024x128xf32, #tpu.memory_space<vmem>>, vector<1024x128xf32>
      tpu.vector_store %arg7[%swap3A_240, %swap3A_241], %broadcast_in_dim3A_218 {strides = array<i32>} : memref<1024x128xf32, #tpu.memory_space<vmem>>, vector<1024x128xf32>,
    } else {
    }
    %iota3A = tpu.iota {dimensions = array<i32: 0>} : vector<1024x1xi32>
    %mul3A = arith.constant 1024 : i32
    %mul3A_2 = arith.muli %arg0, %mul3A : i32
    %add3A = vector.broadcast %mul3A_2 : i32 to vector<1024x1xi32>
    %add3A_3 = arith.addi %iota3A, %add3A : vector<1024x1xi32>
    %lt3A = arith.constant 7409 : i32
    %lt3A_4 = vector.broadcast %lt3A : i32 to vector<1024x1xi32>
    %lt3A_5 = arith.cmpi slt, %add3A_3, %lt3A_4 : vector<1024x1xi32>
    %get3A = arith.constant 0 : index
    %get3A_6 = arith.constant 0 : index
    %get3A_7 = vector.load %arg2[%get3A, %get3A_6] : memref<1024x512xf32, #tpu.memory_space<vmem>>, vector<1024x512xf32>
    %convert_element_type3A_8 = arith.truncf %get3A_7 : vector<1024x512xf32> to vector<1024x512xbf16>
    %jit3A = arith.constant 0.000000e+00 : bf16
    %broadcast_in_dim3A = vector.shape_cast %lt3A_5 : vector<1024x1xi1> to vector<1024x1xi1>
    %broadcast_in_dim3A_9 = vector.broadcast %broadcast_in_dim3A : vector<1024x1xi1> to vector<1024x512xi1>
    %broadcast_in_dim3A_10 = vector.broadcast %jit3A : bf16 to vector<1024x512xbf16>
    %select_n3A = arith.select %broadcast_in_dim3A_9, %convert_element_type3A_8, %broadcast_in_dim3A_10 : vector<1024x512xi1>, vector<1024x512xbf16>
    %get3A_11 = arith.constant 0 : index
    %get3A_12 = arith.constant 0 : index
    %get3A_13 = vector.load %arg3[%get3A_11, %get3A_12] : memref<1024x512xf32, #tpu.memory_space<vmem>>, vector<1024x512xf32>
    %convert_element_type3A_14 = arith.truncf %get3A_13 : vector<1024x512xf32> to vector<1024x512xbf16>
    %jit3A_15 = arith.constant 0.000000e+00 : bf16
    %broadcast_in_dim3A_16 = vector.shape_cast %lt3A_5 : vector<1024x1xi1> to vector<1024x1xi1>
    %broadcast_in_dim3A_17 = vector.broadcast %broadcast_in_dim3A_16 : vector<1024x1xi1> to vector<1024x512xi1>
    %broadcast_in_dim3A_18 = vector.broadcast %jit3A_15 : bf16 to vector<1024x512xbf16>
    %select_n3A_19 = arith.select %broadcast_in_dim3A_17, %convert_element_type3A_14, %broadcast_in_dim3A_18 : vector<1024x512xi1>, vector<1024x512xbf16>
    %get3A_20 = arith.constant 0 : index
    %get3A_21 = arith.constant 0 : index
    %get3A_22 = vector.load %arg4[%get3A_20, %get3A_21] : memref<1024x1xf32, #tpu.memory_space<vmem>>, vector<1024x1xf32>
    %convert_element_type3A_23 = arith.truncf %get3A_22 : vector<1024x1xf32> to vector<1024x1xbf16>
    %jit3A_24 = arith.constant 0.000000e+00 : bf16
    %broadcast_in_dim3A_25 = vector.broadcast %jit3A_24 : bf16 to vector<1024x1xbf16>
    %select_n3A_26 = arith.select %lt3A_5, %convert_element_type3A_23, %broadcast_in_dim3A_25 : vector<1024x1xi1>, vector<1024x1xbf16>
    %sub3A = arith.subf %select_n3A_19, %select_n3A : vector<1024x512xbf16>
    %mul3A_27 = vector.broadcast %select_n3A_26 : vector<1024x1xbf16> to vector<1024x512xbf16>
    %mul3A_28 = arith.mulf %mul3A_27, %sub3A : vector<1024x512xbf16>
    %add3A_29 = arith.addf %select_n3A, %mul3A_28 : vector<1024x512xbf16>
    %get3A_30 = arith.constant 0 : index
    %get3A_31 = arith.constant 0 : index
    %get3A_32 = vector.load %arg14[%get3A_30, %get3A_31] : memref<1024x512xbf16, #tpu.memory_space<vmem>>, vector<1024x512xbf16>
    %dot_general3A = arith.constant dense<0.000000e+00> : vector<1024x1024xf32>
    %dot_general3A_33 = tpu.matmul %get3A_32, %select_n3A, %dot_general3A {dimension_numbers = #tpu.dot_dimension_numbers<[1], [1], [0], [0], [0, 0, 1, 0], [], []>, transpose_lhs_hint = false} : vector<1024x512xbf16>, vector<1024x512xbf16>, vector<1024x1024xf32> -> vector<1024x1024xf32>
    %dot_general3A_34 = arith.constant dense<0.000000e+00> : vector<1024x1024xf32>
    %dot_general3A_35 = tpu.matmul %get3A_32, %add3A_29, %dot_general3A_34 {dimension_numbers = #tpu.dot_dimension_numbers<[1], [1], [0], [0], [0, 0, 1, 0], [], []>, transpose_lhs_hint = false} : vector<1024x512xbf16>, vector<1024x512xbf16>, vector<1024x1024xf32> -> vector<1024x1024xf32>
    %get3A_36 = arith.constant 0 : index
    %get3A_37 = arith.constant 0 : index
    %get3A_38 = vector.load %arg6[%get3A_36, %get3A_37] : memref<1024x128xf32, #tpu.memory_space<vmem>>, vector<1024x128xf32>
    %exp3A = math.exp %dot_general3A_33 : vector<1024x1024xf32>
    %slice3A = vector.extract_strided_slice %exp3A {offsets = [0, 0], sizes = [1024, 128], strides = [1, 1]} : vector<1024x1024xf32> to vector<1024x128xf32>
    %slice3A_39 = vector.extract_strided_slice %exp3A {offsets = [0, 128], sizes = [1024, 128], strides = [1, 1]} : vector<1024x1024xf32> to vector<1024x128xf32>
    %add3A_40 = arith.addf %slice3A, %slice3A_39 : vector<1024x128xf32>
    %slice3A_41 = vector.extract_strided_slice %exp3A {offsets = [0, 256], sizes = [1024, 128], strides = [1, 1]} : vector<1024x1024xf32> to vector<1024x128xf32>
    %add3A_42 = arith.addf %add3A_40, %slice3A_41 : vector<1024x128xf32>
    %slice3A_43 = vector.extract_strided_slice %exp3A {offsets = [0, 384], sizes = [1024, 128], strides = [1, 1]} : vector<1024x1024xf32> to vector<1024x128xf32>
    %add3A_44 = arith.addf %add3A_42, %slice3A_43 : vector<1024x128xf32>
    %slice3A_45 = vector.extract_strided_slice %exp3A {offsets = [0, 512], sizes = [1024, 128], strides = [1, 1]} : vector<1024x1024xf32> to vector<1024x128xf32>
    %add3A_46 = arith.addf %add3A_44, %slice3A_45 : vector<1024x128xf32>
    %slice3A_47 = vector.extract_strided_slice %exp3A {offsets = [0, 640], sizes = [1024, 128], strides = [1, 1]} : vector<1024x1024xf32> to vector<1024x128xf32>
    %add3A_48 = arith.addf %add3A_46, %slice3A_47 : vector<1024x128xf32>
    %slice3A_49 = vector.extract_strided_slice %exp3A {offsets = [0, 768], sizes = [1024, 128], strides = [1, 1]} : vector<1024x1024xf32> to vector<1024x128xf32>
    %add3A_50 = arith.addf %add3A_48, %slice3A_49 : vector<1024x128xf32>
    %slice3A_51 = vector.extract_strided_slice %exp3A {offsets = [0, 896], sizes = [1024, 128], strides = [1, 1]} : vector<1024x1024xf32> to vector<1024x128xf32>
    %add3A_52 = arith.addf %add3A_50, %slice3A_51 : vector<1024x128xf32>
    %add3A_53 = arith.addf %get3A_38, %add3A_52 : vector<1024x128xf32>
    %swap3A = arith.constant 0 : index
    %swap3A_54 = arith.constant 0 : index
    %swap3A_55 = vector.load %arg6[%swap3A, %swap3A_54] : memref<1024x128xf32, #tpu.memory_space<vmem>>, vector<1024x128xf32>
    tpu.vector_store %arg6[%swap3A, %swap3A_54], %add3A_53 {strides = array<i32>} : memref<1024x128xf32, #tpu.memory_space<vmem>>, vector<1024x128xf32>,
    %convert_element_type3A_56 = arith.truncf %dot_general3A_33 : vector<1024x1024xf32> to vector<1024x1024xbf16>
    %slice3A_57 = vector.extract_strided_slice %convert_element_type3A_56 {offsets = [0, 0], sizes = [1024, 512], strides = [1, 1]} : vector<1024x1024xbf16> to vector<1024x512xbf16>
    %slice3A_58 = vector.extract_strided_slice %convert_element_type3A_56 {offsets = [0, 512], sizes = [1024, 512], strides = [1, 1]} : vector<1024x1024xbf16> to vector<1024x512xbf16>
    %max3A = arith.maximumf %slice3A_57, %slice3A_58 : vector<1024x512xbf16>
    %slice3A_59 = vector.extract_strided_slice %convert_element_type3A_56 {offsets = [0, 0], sizes = [1024, 512], strides = [1, 1]} : vector<1024x1024xbf16> to vector<1024x512xbf16>
    %slice3A_60 = vector.extract_strided_slice %convert_element_type3A_56 {offsets = [0, 512], sizes = [1024, 512], strides = [1, 1]} : vector<1024x1024xbf16> to vector<1024x512xbf16>
    %min3A = arith.minimumf %slice3A_59, %slice3A_60 : vector<1024x512xbf16>
    %slice3A_61 = vector.extract_strided_slice %max3A {offsets = [0, 0], sizes = [1024, 256], strides = [1, 1]} : vector<1024x512xbf16> to vector<1024x256xbf16>
    %slice3A_62 = vector.extract_strided_slice %min3A {offsets = [0, 0], sizes = [1024, 256], strides = [1, 1]} : vector<1024x512xbf16> to vector<1024x256xbf16>
    %slice3A_63 = vector.extract_strided_slice %max3A {offsets = [0, 256], sizes = [1024, 256], strides = [1, 1]} : vector<1024x512xbf16> to vector<1024x256xbf16>
    %slice3A_64 = vector.extract_strided_slice %min3A {offsets = [0, 256], sizes = [1024, 256], strides = [1, 1]} : vector<1024x512xbf16> to vector<1024x256xbf16>
    %max3A_65 = arith.maximumf %slice3A_61, %slice3A_63 : vector<1024x256xbf16>
    %min3A_66 = arith.minimumf %slice3A_61, %slice3A_63 : vector<1024x256xbf16>
    %max3A_67 = arith.maximumf %slice3A_62, %slice3A_64 : vector<1024x256xbf16>
    %max3A_68 = arith.maximumf %min3A_66, %max3A_67 : vector<1024x256xbf16>
    %min3A_69 = arith.minimumf %min3A_66, %max3A_67 : vector<1024x256xbf16>
    %min3A_70 = arith.minimumf %slice3A_62, %slice3A_64 : vector<1024x256xbf16>
    %max3A_71 = arith.maximumf %min3A_69, %min3A_70 : vector<1024x256xbf16>
    %slice3A_72 = vector.extract_strided_slice %max3A_65 {offsets = [0, 0], sizes = [1024, 128], strides = [1, 1]} : vector<1024x256xbf16> to vector<1024x128xbf16>
    %slice3A_73 = vector.extract_strided_slice %max3A_68 {offsets = [0, 0], sizes = [1024, 128], strides = [1, 1]} : vector<1024x256xbf16> to vector<1024x128xbf16>
    %slice3A_74 = vector.extract_strided_slice %max3A_71 {offsets = [0, 0], sizes = [1024, 128], strides = [1, 1]} : vector<1024x256xbf16> to vector<1024x128xbf16>
    %slice3A_75 = vector.extract_strided_slice %max3A_65 {offsets = [0, 128], sizes = [1024, 128], strides = [1, 1]} : vector<1024x256xbf16> to vector<1024x128xbf16>
    %slice3A_76 = vector.extract_strided_slice %max3A_68 {offsets = [0, 128], sizes = [1024, 128], strides = [1, 1]} : vector<1024x256xbf16> to vector<1024x128xbf16>
    %slice3A_77 = vector.extract_strided_slice %max3A_71 {offsets = [0, 128], sizes = [1024, 128], strides = [1, 1]} : vector<1024x256xbf16> to vector<1024x128xbf16>
    %max3A_78 = arith.maximumf %slice3A_72, %slice3A_75 : vector<1024x128xbf16>
    %min3A_79 = arith.minimumf %slice3A_72, %slice3A_75 : vector<1024x128xbf16>
    %max3A_80 = arith.maximumf %slice3A_73, %slice3A_76 : vector<1024x128xbf16>
    %max3A_81 = arith.maximumf %min3A_79, %max3A_80 : vector<1024x128xbf16>
    %min3A_82 = arith.minimumf %min3A_79, %max3A_80 : vector<1024x128xbf16>
    %min3A_83 = arith.minimumf %slice3A_73, %slice3A_76 : vector<1024x128xbf16>
    %max3A_84 = arith.maximumf %min3A_82, %min3A_83 : vector<1024x128xbf16>
    %max3A_85 = arith.maximumf %slice3A_74, %slice3A_77 : vector<1024x128xbf16>
    %max3A_86 = arith.maximumf %max3A_84, %max3A_85 : vector<1024x128xbf16>
    %get3A_87 = arith.constant 0 : index
    %get3A_88 = arith.constant 0 : index
    %get3A_89 = vector.load %arg8[%get3A_87, %get3A_88] : memref<1024x128xbf16, #tpu.memory_space<vmem>>, vector<1024x128xbf16>
    %get3A_90 = arith.constant 0 : index
    %get3A_91 = arith.constant 0 : index
    %get3A_92 = vector.load %arg9[%get3A_90, %get3A_91] : memref<1024x128xbf16, #tpu.memory_space<vmem>>, vector<1024x128xbf16>
    %get3A_93 = arith.constant 0 : index
    %get3A_94 = arith.constant 0 : index
    %get3A_95 = vector.load %arg10[%get3A_93, %get3A_94] : memref<1024x128xbf16, #tpu.memory_space<vmem>>, vector<1024x128xbf16>
    %max3A_96 = arith.maximumf %get3A_89, %max3A_78 : vector<1024x128xbf16>
    %min3A_97 = arith.minimumf %get3A_89, %max3A_78 : vector<1024x128xbf16>
    %max3A_98 = arith.maximumf %get3A_92, %max3A_81 : vector<1024x128xbf16>
    %min3A_99 = arith.minimumf %get3A_92, %max3A_81 : vector<1024x128xbf16>
    %swap3A_100 = arith.constant 0 : index
    %swap3A_101 = arith.constant 0 : index
    %swap3A_102 = vector.load %arg8[%swap3A_100, %swap3A_101] : memref<1024x128xbf16, #tpu.memory_space<vmem>>, vector<1024x128xbf16>
    tpu.vector_store %arg8[%swap3A_100, %swap3A_101], %max3A_96 {strides = array<i32>} : memref<1024x128xbf16, #tpu.memory_space<vmem>>, vector<1024x128xbf16>,
    %max3A_103 = arith.maximumf %min3A_97, %max3A_98 : vector<1024x128xbf16>
    %swap3A_104 = arith.constant 0 : index
    %swap3A_105 = arith.constant 0 : index
    %swap3A_106 = vector.load %arg9[%swap3A_104, %swap3A_105] : memref<1024x128xbf16, #tpu.memory_space<vmem>>, vector<1024x128xbf16>
    tpu.vector_store %arg9[%swap3A_104, %swap3A_105], %max3A_103 {strides = array<i32>} : memref<1024x128xbf16, #tpu.memory_space<vmem>>, vector<1024x128xbf16>,
    %min3A_107 = arith.minimumf %min3A_97, %max3A_98 : vector<1024x128xbf16>
    %max3A_108 = arith.maximumf %min3A_107, %min3A_99 : vector<1024x128xbf16>
    %max3A_109 = arith.maximumf %get3A_95, %max3A_86 : vector<1024x128xbf16>
    %max3A_110 = arith.maximumf %max3A_108, %max3A_109 : vector<1024x128xbf16>
    %swap3A_111 = arith.constant 0 : index
    %swap3A_112 = arith.constant 0 : index
    %swap3A_113 = vector.load %arg10[%swap3A_111, %swap3A_112] : memref<1024x128xbf16, #tpu.memory_space<vmem>>, vector<1024x128xbf16>
    tpu.vector_store %arg10[%swap3A_111, %swap3A_112], %max3A_110 {strides = array<i32>} : memref<1024x128xbf16, #tpu.memory_space<vmem>>, vector<1024x128xbf16>,
    %get3A_114 = arith.constant 0 : index
    %get3A_115 = arith.constant 0 : index
    %get3A_116 = vector.load %arg7[%get3A_114, %get3A_115] : memref<1024x128xf32, #tpu.memory_space<vmem>>, vector<1024x128xf32>
    %exp3A_117 = math.exp %dot_general3A_35 : vector<1024x1024xf32>
    %slice3A_118 = vector.extract_strided_slice %exp3A_117 {offsets = [0, 0], sizes = [1024, 128], strides = [1, 1]} : vector<1024x1024xf32> to vector<1024x128xf32>
    %slice3A_119 = vector.extract_strided_slice %exp3A_117 {offsets = [0, 128], sizes = [1024, 128], strides = [1, 1]} : vector<1024x1024xf32> to vector<1024x128xf32>
    %add3A_120 = arith.addf %slice3A_118, %slice3A_119 : vector<1024x128xf32>
    %slice3A_121 = vector.extract_strided_slice %exp3A_117 {offsets = [0, 256], sizes = [1024, 128], strides = [1, 1]} : vector<1024x1024xf32> to vector<1024x128xf32>
    %add3A_122 = arith.addf %add3A_120, %slice3A_121 : vector<1024x128xf32>
    %slice3A_123 = vector.extract_strided_slice %exp3A_117 {offsets = [0, 384], sizes = [1024, 128], strides = [1, 1]} : vector<1024x1024xf32> to vector<1024x128xf32>
    %add3A_124 = arith.addf %add3A_122, %slice3A_123 : vector<1024x128xf32>
    %slice3A_125 = vector.extract_strided_slice %exp3A_117 {offsets = [0, 512], sizes = [1024, 128], strides = [1, 1]} : vector<1024x1024xf32> to vector<1024x128xf32>
    %add3A_126 = arith.addf %add3A_124, %slice3A_125 : vector<1024x128xf32>
    %slice3A_127 = vector.extract_strided_slice %exp3A_117 {offsets = [0, 640], sizes = [1024, 128], strides = [1, 1]} : vector<1024x1024xf32> to vector<1024x128xf32>
    %add3A_128 = arith.addf %add3A_126, %slice3A_127 : vector<1024x128xf32>
    %slice3A_129 = vector.extract_strided_slice %exp3A_117 {offsets = [0, 768], sizes = [1024, 128], strides = [1, 1]} : vector<1024x1024xf32> to vector<1024x128xf32>
    %add3A_130 = arith.addf %add3A_128, %slice3A_129 : vector<1024x128xf32>
    %slice3A_131 = vector.extract_strided_slice %exp3A_117 {offsets = [0, 896], sizes = [1024, 128], strides = [1, 1]} : vector<1024x1024xf32> to vector<1024x128xf32>
    %add3A_132 = arith.addf %add3A_130, %slice3A_131 : vector<1024x128xf32>
    %add3A_133 = arith.addf %get3A_116, %add3A_132 : vector<1024x128xf32>
    %swap3A_134 = arith.constant 0 : index
    %swap3A_135 = arith.constant 0 : index
    %swap3A_136 = vector.load %arg7[%swap3A_134, %swap3A_135] : memref<1024x128xf32, #tpu.memory_space<vmem>>, vector<1024x128xf32>
    tpu.vector_store %arg7[%swap3A_134, %swap3A_135], %add3A_133 {strides = array<i32>} : memref<1024x128xf32, #tpu.memory_space<vmem>>, vector<1024x128xf32>,
    %convert_element_type3A_137 = arith.truncf %dot_general3A_35 : vector<1024x1024xf32> to vector<1024x1024xbf16>
    %slice3A_138 = vector.extract_strided_slice %convert_element_type3A_137 {offsets = [0, 0], sizes = [1024, 512], strides = [1, 1]} : vector<1024x1024xbf16> to vector<1024x512xbf16>
    %slice3A_139 = vector.extract_strided_slice %convert_element_type3A_137 {offsets = [0, 512], sizes = [1024, 512], strides = [1, 1]} : vector<1024x1024xbf16> to vector<1024x512xbf16>
    %max3A_140 = arith.maximumf %slice3A_138, %slice3A_139 : vector<1024x512xbf16>
    %slice3A_141 = vector.extract_strided_slice %convert_element_type3A_137 {offsets = [0, 0], sizes = [1024, 512], strides = [1, 1]} : vector<1024x1024xbf16> to vector<1024x512xbf16>
    %slice3A_142 = vector.extract_strided_slice %convert_element_type3A_137 {offsets = [0, 512], sizes = [1024, 512], strides = [1, 1]} : vector<1024x1024xbf16> to vector<1024x512xbf16>
    %min3A_143 = arith.minimumf %slice3A_141, %slice3A_142 : vector<1024x512xbf16>
    %slice3A_144 = vector.extract_strided_slice %max3A_140 {offsets = [0, 0], sizes = [1024, 256], strides = [1, 1]} : vector<1024x512xbf16> to vector<1024x256xbf16>
    %slice3A_145 = vector.extract_strided_slice %min3A_143 {offsets = [0, 0], sizes = [1024, 256], strides = [1, 1]} : vector<1024x512xbf16> to vector<1024x256xbf16>
    %slice3A_146 = vector.extract_strided_slice %max3A_140 {offsets = [0, 256], sizes = [1024, 256], strides = [1, 1]} : vector<1024x512xbf16> to vector<1024x256xbf16>
    %slice3A_147 = vector.extract_strided_slice %min3A_143 {offsets = [0, 256], sizes = [1024, 256], strides = [1, 1]} : vector<1024x512xbf16> to vector<1024x256xbf16>
    %max3A_148 = arith.maximumf %slice3A_144, %slice3A_146 : vector<1024x256xbf16>
    %min3A_149 = arith.minimumf %slice3A_144, %slice3A_146 : vector<1024x256xbf16>
    %max3A_150 = arith.maximumf %slice3A_145, %slice3A_147 : vector<1024x256xbf16>
    %max3A_151 = arith.maximumf %min3A_149, %max3A_150 : vector<1024x256xbf16>
    %min3A_152 = arith.minimumf %min3A_149, %max3A_150 : vector<1024x256xbf16>
    %min3A_153 = arith.minimumf %slice3A_145, %slice3A_147 : vector<1024x256xbf16>
    %max3A_154 = arith.maximumf %min3A_152, %min3A_153 : vector<1024x256xbf16>
    %slice3A_155 = vector.extract_strided_slice %max3A_148 {offsets = [0, 0], sizes = [1024, 128], strides = [1, 1]} : vector<1024x256xbf16> to vector<1024x128xbf16>
    %slice3A_156 = vector.extract_strided_slice %max3A_151 {offsets = [0, 0], sizes = [1024, 128], strides = [1, 1]} : vector<1024x256xbf16> to vector<1024x128xbf16>
    %slice3A_157 = vector.extract_strided_slice %max3A_154 {offsets = [0, 0], sizes = [1024, 128], strides = [1, 1]} : vector<1024x256xbf16> to vector<1024x128xbf16>
    %slice3A_158 = vector.extract_strided_slice %max3A_148 {offsets = [0, 128], sizes = [1024, 128], strides = [1, 1]} : vector<1024x256xbf16> to vector<1024x128xbf16>
    %slice3A_159 = vector.extract_strided_slice %max3A_151 {offsets = [0, 128], sizes = [1024, 128], strides = [1, 1]} : vector<1024x256xbf16> to vector<1024x128xbf16>
    %slice3A_160 = vector.extract_strided_slice %max3A_154 {offsets = [0, 128], sizes = [1024, 128], strides = [1, 1]} : vector<1024x256xbf16> to vector<1024x128xbf16>
    %max3A_161 = arith.maximumf %slice3A_155, %slice3A_158 : vector<1024x128xbf16>
    %min3A_162 = arith.minimumf %slice3A_155, %slice3A_158 : vector<1024x128xbf16>
    %max3A_163 = arith.maximumf %slice3A_156, %slice3A_159 : vector<1024x128xbf16>
    %max3A_164 = arith.maximumf %min3A_162, %max3A_163 : vector<1024x128xbf16>
    %min3A_165 = arith.minimumf %min3A_162, %max3A_163 : vector<1024x128xbf16>
    %min3A_166 = arith.minimumf %slice3A_156, %slice3A_159 : vector<1024x128xbf16>
    %max3A_167 = arith.maximumf %min3A_165, %min3A_166 : vector<1024x128xbf16>
    %max3A_168 = arith.maximumf %slice3A_157, %slice3A_160 : vector<1024x128xbf16>
    %max3A_169 = arith.maximumf %max3A_167, %max3A_168 : vector<1024x128xbf16>
    %get3A_170 = arith.constant 0 : index
    %get3A_171 = arith.constant 0 : index
    %get3A_172 = vector.load %arg11[%get3A_170, %get3A_171] : memref<1024x128xbf16, #tpu.memory_space<vmem>>, vector<1024x128xbf16>
    %get3A_173 = arith.constant 0 : index
    %get3A_174 = arith.constant 0 : index
    %get3A_175 = vector.load %arg12[%get3A_173, %get3A_174] : memref<1024x128xbf16, #tpu.memory_space<vmem>>, vector<1024x128xbf16>
    %get3A_176 = arith.constant 0 : index
    %get3A_177 = arith.constant 0 : index
    %get3A_178 = vector.load %arg13[%get3A_176, %get3A_177] : memref<1024x128xbf16, #tpu.memory_space<vmem>>, vector<1024x128xbf16>
    %max3A_179 = arith.maximumf %get3A_172, %max3A_161 : vector<1024x128xbf16>
    %min3A_180 = arith.minimumf %get3A_172, %max3A_161 : vector<1024x128xbf16>
    %max3A_181 = arith.maximumf %get3A_175, %max3A_164 : vector<1024x128xbf16>
    %min3A_182 = arith.minimumf %get3A_175, %max3A_164 : vector<1024x128xbf16>
    %swap3A_183 = arith.constant 0 : index
    %swap3A_184 = arith.constant 0 : index
    %swap3A_185 = vector.load %arg11[%swap3A_183, %swap3A_184] : memref<1024x128xbf16, #tpu.memory_space<vmem>>, vector<1024x128xbf16>
    tpu.vector_store %arg11[%swap3A_183, %swap3A_184], %max3A_179 {strides = array<i32>} : memref<1024x128xbf16, #tpu.memory_space<vmem>>, vector<1024x128xbf16>,
    %max3A_186 = arith.maximumf %min3A_180, %max3A_181 : vector<1024x128xbf16>
    %swap3A_187 = arith.constant 0 : index
    %swap3A_188 = arith.constant 0 : index
    %swap3A_189 = vector.load %arg12[%swap3A_187, %swap3A_188] : memref<1024x128xbf16, #tpu.memory_space<vmem>>, vector<1024x128xbf16>
    tpu.vector_store %arg12[%swap3A_187, %swap3A_188], %max3A_186 {strides = array<i32>} : memref<1024x128xbf16, #tpu.memory_space<vmem>>, vector<1024x128xbf16>,
    %min3A_190 = arith.minimumf %min3A_180, %max3A_181 : vector<1024x128xbf16>
    %max3A_191 = arith.maximumf %min3A_190, %min3A_182 : vector<1024x128xbf16>
    %max3A_192 = arith.maximumf %get3A_178, %max3A_169 : vector<1024x128xbf16>
    %max3A_193 = arith.maximumf %max3A_191, %max3A_192 : vector<1024x128xbf16>
    %swap3A_194 = arith.constant 0 : index
    %swap3A_195 = arith.constant 0 : index
    %swap3A_196 = vector.load %arg13[%swap3A_194, %swap3A_195] : memref<1024x128xbf16, #tpu.memory_space<vmem>>, vector<1024x128xbf16>
    tpu.vector_store %arg13[%swap3A_194, %swap3A_195], %max3A_193 {strides = array<i32>} : memref<1024x128xbf16, #tpu.memory_space<vmem>>, vector<1024x128xbf16>,
    return
  }
  func.func @transform_0(%arg0: i32) -> (i32, i32) {
    %c0_i32 = arith.constant 0 : i32
    %c0_i32_0 = arith.constant 0 : i32
    %c0_i32_1 = arith.constant 0 : i32
    return %c0_i32, %c0_i32_0 : i32, i32
  }
  func.func @transform_1(%arg0: i32) -> (i32, i32) {
    %c0_i32 = arith.constant 0 : i32
    %c0_i32_0 = arith.constant 0 : i32
    return %arg0, %c0_i32 : i32, i32
  }
  func.func @transform_2(%arg0: i32) -> (i32, i32) {
    %c0_i32 = arith.constant 0 : i32
    %c0_i32_0 = arith.constant 0 : i32
    return %arg0, %c0_i32 : i32, i32
  }
  func.func @transform_3(%arg0: i32) -> (i32, i32) {
    %c0_i32 = arith.constant 0 : i32
    %c0_i32_0 = arith.constant 0 : i32
    return %arg0, %c0_i32 : i32, i32
  }
  func.func @transform_4(%arg0: i32) -> (i32, i32) {
    %c0_i32 = arith.constant 0 : i32
    %c0_i32_0 = arith.constant 0 : i32
    %c0_i32_1 = arith.constant 0 : i32
    return %c0_i32, %c0_i32_0 : i32, i32
  }
  func.func @transform_5(%arg0: i32) -> (i32, i32) {
    %c0_i32 = arith.constant 0 : i32
    %c0_i32_0 = arith.constant 0 : i32
    %c0_i32_1 = arith.constant 0 : i32
    return %c0_i32, %c0_i32_0 : i32, i32
  }
  func.func @transform_6(%arg0: i32) -> (i32, i32) {
    %c0_i32 = arith.constant 0 : i32
    %c0_i32_0 = arith.constant 0 : i32
    %c0_i32_1 = arith.constant 0 : i32
    return %c0_i32, %c0_i32_0 : i32, i32
  }
  func.func @transform_7(%arg0: i32) -> (i32, i32) {
    %c0_i32 = arith.constant 0 : i32
    %c0_i32_0 = arith.constant 0 : i32
    %c0_i32_1 = arith.constant 0 : i32
    return %c0_i32, %c0_i32_0 : i32, i32
  }
  func.func @transform_8(%arg0: i32) -> (i32, i32) {
    %c0_i32 = arith.constant 0 : i32
    %c0_i32_0 = arith.constant 0 : i32
    %c0_i32_1 = arith.constant 0 : i32
    return %c0_i32, %c0_i32_0 : i32, i32
  }
  func.func @transform_9(%arg0: i32) -> (i32, i32) {
    %c0_i32 = arith.constant 0 : i32
    %c0_i32_0 = arith.constant 0 : i32
    %c0_i32_1 = arith.constant 0 : i32
    return %c0_i32, %c0_i32_0 : i32, i32
  }
  func.func @transform_10(%arg0: i32) -> (i32, i32) {
    %c0_i32 = arith.constant 0 : i32
    %c0_i32_0 = arith.constant 0 : i32
    %c0_i32_1 = arith.constant 0 : i32
    return %c0_i32, %c0_i32_0 : i32, i32
  }
  func.func @transform_11(%arg0: i32) -> (i32, i32) {
    %c0_i32 = arith.constant 0 : i32
    %c0_i32_0 = arith.constant 0 : i32
    %c0_i32_1 = arith.constant 0 : i32
    return %c0_i32, %c0_i32_0 : i32, i32
  }
  func.func @transform_12(%arg0: i32) -> (i32, i32) {
    %c0_i32 = arith.constant 0 : i32
    %c0_i32_0 = arith.constant 0 : i32
    %c0_i32_1 = arith.constant 0 : i32
    return %c0_i32, %c0_i32_0 : i32, i32
  }
}

module attributes {stable_mosaic.version = 14 : i64} {
  func.func @_tc_combine_body(%arg0: memref<1024x1xi32, #tpu.memory_space<vmem>>, %arg1: memref<1024x1xf32, #tpu.memory_space<vmem>>, %arg2: memref<1024x128xf32, #tpu.memory_space<vmem>>, %arg3: memref<1024x128xf32, #tpu.memory_space<vmem>>, %arg4: memref<1024x128xbf16, #tpu.memory_space<vmem>>, %arg5: memref<1024x128xbf16, #tpu.memory_space<vmem>>, %arg6: memref<1024x128xbf16, #tpu.memory_space<vmem>>, %arg7: memref<1024x128xbf16, #tpu.memory_space<vmem>>, %arg8: memref<1024x128xbf16, #tpu.memory_space<vmem>>, %arg9: memref<1024x128xbf16, #tpu.memory_space<vmem>>, %arg10: memref<1024x512xf32, #tpu.memory_space<vmem>>, %arg11: memref<1024x512xf32, #tpu.memory_space<vmem>>, %arg12: memref<1024x512xf32, #tpu.memory_space<vmem>>, %arg13: memref<1024x128xf32, #tpu.memory_space<vmem>>, %arg14: memref<1x1xf32, #tpu.memory_space<vmem>>) attributes {dimension_semantics = [], scalar_prefetch = 0 : i64, scratch_operands = 0 : i64, tpu.core_type = #tpu.core_type<tc>} {
    %get3A = arith.constant 0 : index
    %get3A_0 = arith.constant 0 : index
    %get3A_1 = vector.load %arg1[%get3A, %get3A_0] : memref<1024x1xf32, #tpu.memory_space<vmem>>, vector<1024x1xf32>
    %get3A_2 = arith.constant 0 : index
    %get3A_3 = arith.constant 0 : index
    %get3A_4 = vector.load %arg10[%get3A_2, %get3A_3] : memref<1024x512xf32, #tpu.memory_space<vmem>>, vector<1024x512xf32>
    %get3A_5 = arith.constant 0 : index
    %get3A_6 = arith.constant 0 : index
    %get3A_7 = vector.load %arg11[%get3A_5, %get3A_6] : memref<1024x512xf32, #tpu.memory_space<vmem>>, vector<1024x512xf32>
    %mul3A = arith.mulf %get3A_4, %get3A_7 : vector<1024x512xf32>
    %reduce_sum3A = arith.constant dense<0.000000e+00> : vector<1024xf32>
    %reduce_sum3A_8 = vector.multi_reduction <add>, %mul3A, %reduce_sum3A [1] : vector<1024x512xf32> to vector<1024xf32>
    %broadcast_in_dim3A = vector.shape_cast %reduce_sum3A_8 : vector<1024xf32> to vector<1024x1xf32>
    %get3A_9 = arith.constant 0 : index
    %get3A_10 = arith.constant 0 : index
    %get3A_11 = vector.load %arg12[%get3A_9, %get3A_10] : memref<1024x512xf32, #tpu.memory_space<vmem>>, vector<1024x512xf32>
    %mul3A_12 = arith.mulf %get3A_4, %get3A_11 : vector<1024x512xf32>
    %reduce_sum3A_13 = arith.constant dense<0.000000e+00> : vector<1024xf32>
    %reduce_sum3A_14 = vector.multi_reduction <add>, %mul3A_12, %reduce_sum3A_13 [1] : vector<1024x512xf32> to vector<1024xf32>
    %broadcast_in_dim3A_15 = vector.shape_cast %reduce_sum3A_14 : vector<1024xf32> to vector<1024x1xf32>
    %get3A_16 = arith.constant 0 : index
    %get3A_17 = arith.constant 0 : index
    %get3A_18 = vector.load %arg13[%get3A_16, %get3A_17] : memref<1024x128xf32, #tpu.memory_space<vmem>>, vector<1024x128xf32>
    %slice3A = vector.extract_strided_slice %get3A_18 {offsets = [0, 0], sizes = [1024, 1], strides = [1, 1]} : vector<1024x128xf32> to vector<1024x1xf32>
    %mul3A_19 = arith.constant 3.200000e+01 : f32
    %mul3A_20 = vector.broadcast %mul3A_19 : f32 to vector<1024x1xf32>
    %mul3A_21 = arith.mulf %mul3A_20, %get3A_1 : vector<1024x1xf32>
    %mul3A_22 = arith.mulf %mul3A_21, %broadcast_in_dim3A : vector<1024x1xf32>
    %mul3A_23 = arith.mulf %slice3A, %broadcast_in_dim3A_15 : vector<1024x1xf32>
    %sub3A = arith.constant 1.000000e+00 : f32
    %sub3A_24 = vector.broadcast %sub3A : f32 to vector<1024x1xf32>
    %sub3A_25 = arith.subf %sub3A_24, %slice3A : vector<1024x1xf32>
    %mul3A_26 = arith.mulf %sub3A_25, %broadcast_in_dim3A : vector<1024x1xf32>
    %add3A = arith.addf %mul3A_23, %mul3A_26 : vector<1024x1xf32>
    %mul3A_27 = arith.mulf %mul3A_21, %add3A : vector<1024x1xf32>
    %get3A_28 = arith.constant 0 : index
    %get3A_29 = arith.constant 0 : index
    %get3A_30 = vector.load %arg0[%get3A_28, %get3A_29] : memref<1024x1xi32, #tpu.memory_space<vmem>>, vector<1024x1xi32>
    %ge3A = arith.constant 0 : i32
    %ge3A_31 = vector.broadcast %ge3A : i32 to vector<1024x1xi32>
    %ge3A_32 = arith.cmpi sge, %get3A_30, %ge3A_31 : vector<1024x1xi32>
    %convert_element_type3A = arith.extui %ge3A_32 : vector<1024x1xi1> to vector<1024x1xi32>
    %convert_element_type3A_33 = arith.sitofp %convert_element_type3A : vector<1024x1xi32> to vector<1024x1xf32>
    %reduce_sum3A_34 = vector.shape_cast %convert_element_type3A_33 : vector<1024x1xf32> to vector<1x1024x1xf32>
    %reduce_sum3A_35 = arith.constant dense<0.000000e+00> : vector<1xf32>
    %reduce_sum3A_36 = vector.multi_reduction <add>, %reduce_sum3A_34, %reduce_sum3A_35 [1, 2] : vector<1x1024x1xf32> to vector<1xf32>
    %reduce_sum3A_37 = vector.shape_cast %reduce_sum3A_36 : vector<1xf32> to vector<1x1x1xf32>
    %reduce_sum3A_38 = vector.extract %reduce_sum3A_37[0, 0, 0] : f32 from vector<1x1x1xf32>
    %sub3A_39 = arith.constant 1.024000e+03 : f32
    %sub3A_40 = arith.subf %sub3A_39, %reduce_sum3A_38 : f32
    %get3A_41 = arith.constant 0 : index
    %get3A_42 = arith.constant 0 : index
    %get3A_43 = vector.load %arg2[%get3A_41, %get3A_42] : memref<1024x128xf32, #tpu.memory_space<vmem>>, vector<1024x128xf32>
    %reduce_sum3A_44 = arith.constant dense<0.000000e+00> : vector<1024xf32>
    %reduce_sum3A_45 = vector.multi_reduction <add>, %get3A_43, %reduce_sum3A_44 [1] : vector<1024x128xf32> to vector<1024xf32>
    %broadcast_in_dim3A_46 = vector.shape_cast %reduce_sum3A_45 : vector<1024xf32> to vector<1024x1xf32>
    %exp3A = math.exp %mul3A_22 : vector<1024x1xf32>
    %sub3A_47 = arith.constant 7.830000e+02 : f32
    %sub3A_48 = vector.broadcast %sub3A_47 : f32 to vector<1024x1xf32>
    %sub3A_49 = arith.subf %broadcast_in_dim3A_46, %sub3A_48 : vector<1024x1xf32>
    %sub3A_50 = arith.subf %sub3A_49, %exp3A : vector<1024x1xf32>
    %neg3A = arith.constant 0.000000e+00 : f32
    %neg3A_51 = arith.constant 1.280000e+01 : f32
    %neg3A_52 = arith.subf %neg3A, %neg3A_51 : f32
    %exp3A_53 = math.exp %neg3A_52 : f32
    %mul3A_54 = vector.broadcast %exp3A_53 : f32 to vector<1024x1xf32>
    %mul3A_55 = arith.mulf %exp3A, %mul3A_54 : vector<1024x1xf32>
    %add3A_56 = arith.addf %sub3A_50, %mul3A_55 : vector<1024x1xf32>
    %log3A = math.log %add3A_56 : vector<1024x1xf32>
    %sub3A_57 = arith.subf %log3A, %mul3A_22 : vector<1024x1xf32>
    %add3A_58 = arith.constant 1.280000e+01 : f32
    %add3A_59 = vector.broadcast %add3A_58 : f32 to vector<1024x1xf32>
    %add3A_60 = arith.addf %sub3A_57, %add3A_59 : vector<1024x1xf32>
    %get3A_61 = arith.constant 0 : index
    %get3A_62 = arith.constant 0 : index
    %get3A_63 = vector.load %arg4[%get3A_61, %get3A_62] : memref<1024x128xbf16, #tpu.memory_space<vmem>>, vector<1024x128xbf16>
    %get3A_64 = arith.constant 0 : index
    %get3A_65 = arith.constant 0 : index
    %get3A_66 = vector.load %arg5[%get3A_64, %get3A_65] : memref<1024x128xbf16, #tpu.memory_space<vmem>>, vector<1024x128xbf16>
    %get3A_67 = arith.constant 0 : index
    %get3A_68 = arith.constant 0 : index
    %get3A_69 = vector.load %arg6[%get3A_67, %get3A_68] : memref<1024x128xbf16, #tpu.memory_space<vmem>>, vector<1024x128xbf16>
    %concatenate3A = tpu.concatenate %get3A_63, %get3A_66, %get3A_69 in 1 : vector<1024x128xbf16>, vector<1024x128xbf16>, vector<1024x128xbf16> -> vector<1024x384xbf16>
    %max3A = arith.constant 0.000000e+00 : bf16
    %max3A_70 = vector.broadcast %max3A : bf16 to vector<1024x384xbf16>
    %max3A_71 = arith.maximumf %concatenate3A, %max3A_70 : vector<1024x384xbf16>
    %reduce_max3A = arith.constant dense<0xFF80> : vector<1024xbf16>
    %reduce_max3A_72 = vector.multi_reduction <maximumf>, %max3A_71, %reduce_max3A [1] : vector<1024x384xbf16> to vector<1024xbf16>
    %broadcast_in_dim3A_73 = vector.shape_cast %reduce_max3A_72 : vector<1024xbf16> to vector<1024x1xbf16>
    %eq3A = vector.broadcast %broadcast_in_dim3A_73 : vector<1024x1xbf16> to vector<1024x384xbf16>
    %eq3A_74 = arith.cmpf oeq, %max3A_71, %eq3A : vector<1024x384xbf16>
    %jit3A = arith.constant 0.000000e+00 : bf16
    %broadcast_in_dim3A_75 = vector.broadcast %jit3A : bf16 to vector<1024x384xbf16>
    %select_n3A = arith.select %eq3A_74, %broadcast_in_dim3A_75, %max3A_71 : vector<1024x384xi1>, vector<1024x384xbf16>
    %reduce_max3A_76 = arith.constant dense<0xFF80> : vector<1024xbf16>
    %reduce_max3A_77 = vector.multi_reduction <maximumf>, %select_n3A, %reduce_max3A_76 [1] : vector<1024x384xbf16> to vector<1024xbf16>
    %broadcast_in_dim3A_78 = vector.shape_cast %reduce_max3A_77 : vector<1024xbf16> to vector<1024x1xbf16>
    %eq3A_79 = vector.broadcast %broadcast_in_dim3A_78 : vector<1024x1xbf16> to vector<1024x384xbf16>
    %eq3A_80 = arith.cmpf oeq, %select_n3A, %eq3A_79 : vector<1024x384xbf16>
    %jit3A_81 = arith.constant 0.000000e+00 : bf16
    %broadcast_in_dim3A_82 = vector.broadcast %jit3A_81 : bf16 to vector<1024x384xbf16>
    %select_n3A_83 = arith.select %eq3A_80, %broadcast_in_dim3A_82, %select_n3A : vector<1024x384xi1>, vector<1024x384xbf16>
    %reduce_max3A_84 = arith.constant dense<0xFF80> : vector<1024xbf16>
    %reduce_max3A_85 = vector.multi_reduction <maximumf>, %select_n3A_83, %reduce_max3A_84 [1] : vector<1024x384xbf16> to vector<1024xbf16>
    %broadcast_in_dim3A_86 = vector.shape_cast %reduce_max3A_85 : vector<1024xbf16> to vector<1024x1xbf16>
    %convert_element_type3A_87 = arith.extf %broadcast_in_dim3A_73 : vector<1024x1xbf16> to vector<1024x1xf32>
    %convert_element_type3A_88 = arith.extf %broadcast_in_dim3A_78 : vector<1024x1xbf16> to vector<1024x1xf32>
    %add3A_89 = arith.addf %convert_element_type3A_87, %convert_element_type3A_88 : vector<1024x1xf32>
    %convert_element_type3A_90 = arith.extf %broadcast_in_dim3A_86 : vector<1024x1xbf16> to vector<1024x1xf32>
    %add3A_91 = arith.addf %add3A_89, %convert_element_type3A_90 : vector<1024x1xf32>
    %mul3A_92 = arith.constant 3.125000e-02 : f32
    %mul3A_93 = vector.broadcast %mul3A_92 : f32 to vector<1024x1xf32>
    %mul3A_94 = arith.mulf %add3A_91, %mul3A_93 : vector<1024x1xf32>
    %gt3A = arith.constant 0.000000e+00 : f32
    %gt3A_95 = arith.cmpf ogt, %reduce_sum3A_38, %gt3A : f32
    %mul3A_96 = arith.mulf %add3A_60, %convert_element_type3A_33 : vector<1024x1xf32>
    %reduce_sum3A_97 = vector.shape_cast %mul3A_96 : vector<1024x1xf32> to vector<1x1024x1xf32>
    %reduce_sum3A_98 = arith.constant dense<0.000000e+00> : vector<1xf32>
    %reduce_sum3A_99 = vector.multi_reduction <add>, %reduce_sum3A_97, %reduce_sum3A_98 [1, 2] : vector<1x1024x1xf32> to vector<1xf32>
    %reduce_sum3A_100 = vector.shape_cast %reduce_sum3A_99 : vector<1xf32> to vector<1x1x1xf32>
    %reduce_sum3A_101 = vector.extract %reduce_sum3A_100[0, 0, 0] : f32 from vector<1x1x1xf32>
    %max3A_102 = arith.constant 1.000000e+00 : f32
    %max3A_103 = arith.maximumf %reduce_sum3A_38, %max3A_102 : f32
    %div3A = arith.divf %reduce_sum3A_101, %max3A_103 : f32
    %jit3A_104 = arith.constant 0.000000e+00 : f32
    %select_n3A_105 = arith.select %gt3A_95, %div3A, %jit3A_104 : f32
    %gt3A_106 = arith.constant 0.000000e+00 : f32
    %gt3A_107 = arith.cmpf ogt, %sub3A_40, %gt3A_106 : f32
    %sub3A_108 = arith.constant 1.000000e+00 : f32
    %sub3A_109 = vector.broadcast %sub3A_108 : f32 to vector<1024x1xf32>
    %sub3A_110 = arith.subf %sub3A_109, %convert_element_type3A_33 : vector<1024x1xf32>
    %mul3A_111 = arith.mulf %mul3A_94, %sub3A_110 : vector<1024x1xf32>
    %reduce_sum3A_112 = vector.shape_cast %mul3A_111 : vector<1024x1xf32> to vector<1x1024x1xf32>
    %reduce_sum3A_113 = arith.constant dense<0.000000e+00> : vector<1xf32>
    %reduce_sum3A_114 = vector.multi_reduction <add>, %reduce_sum3A_112, %reduce_sum3A_113 [1, 2] : vector<1x1024x1xf32> to vector<1xf32>
    %reduce_sum3A_115 = vector.shape_cast %reduce_sum3A_114 : vector<1xf32> to vector<1x1x1xf32>
    %reduce_sum3A_116 = vector.extract %reduce_sum3A_115[0, 0, 0] : f32 from vector<1x1x1xf32>
    %mul3A_117 = arith.constant 3.000000e+00 : f32
    %mul3A_118 = arith.mulf %sub3A_40, %mul3A_117 : f32
    %max3A_119 = arith.constant 1.000000e+00 : f32
    %max3A_120 = arith.maximumf %mul3A_118, %max3A_119 : f32
    %div3A_121 = arith.divf %reduce_sum3A_116, %max3A_120 : f32
    %jit3A_122 = arith.constant 0.000000e+00 : f32
    %select_n3A_123 = arith.select %gt3A_107, %div3A_121, %jit3A_122 : f32
    %add3A_124 = arith.constant 0.000000e+00 : f32
    %add3A_125 = arith.addf %add3A_124, %select_n3A_105 : f32
    %add3A_126 = arith.addf %add3A_125, %select_n3A_123 : f32
    %get3A_127 = arith.constant 0 : index
    %get3A_128 = arith.constant 0 : index
    %get3A_129 = vector.load %arg3[%get3A_127, %get3A_128] : memref<1024x128xf32, #tpu.memory_space<vmem>>, vector<1024x128xf32>
    %reduce_sum3A_130 = arith.constant dense<0.000000e+00> : vector<1024xf32>
    %reduce_sum3A_131 = vector.multi_reduction <add>, %get3A_129, %reduce_sum3A_130 [1] : vector<1024x128xf32> to vector<1024xf32>
    %broadcast_in_dim3A_132 = vector.shape_cast %reduce_sum3A_131 : vector<1024xf32> to vector<1024x1xf32>
    %exp3A_133 = math.exp %mul3A_27 : vector<1024x1xf32>
    %sub3A_134 = arith.constant 7.830000e+02 : f32
    %sub3A_135 = vector.broadcast %sub3A_134 : f32 to vector<1024x1xf32>
    %sub3A_136 = arith.subf %broadcast_in_dim3A_132, %sub3A_135 : vector<1024x1xf32>
    %sub3A_137 = arith.subf %sub3A_136, %exp3A_133 : vector<1024x1xf32>
    %neg3A_138 = arith.constant 0.000000e+00 : f32
    %neg3A_139 = arith.constant 1.280000e+01 : f32
    %neg3A_140 = arith.subf %neg3A_138, %neg3A_139 : f32
    %exp3A_141 = math.exp %neg3A_140 : f32
    %mul3A_142 = vector.broadcast %exp3A_141 : f32 to vector<1024x1xf32>
    %mul3A_143 = arith.mulf %exp3A_133, %mul3A_142 : vector<1024x1xf32>
    %add3A_144 = arith.addf %sub3A_137, %mul3A_143 : vector<1024x1xf32>
    %log3A_145 = math.log %add3A_144 : vector<1024x1xf32>
    %sub3A_146 = arith.subf %log3A_145, %mul3A_27 : vector<1024x1xf32>
    %add3A_147 = arith.constant 1.280000e+01 : f32
    %add3A_148 = vector.broadcast %add3A_147 : f32 to vector<1024x1xf32>
    %add3A_149 = arith.addf %sub3A_146, %add3A_148 : vector<1024x1xf32>
    %get3A_150 = arith.constant 0 : index
    %get3A_151 = arith.constant 0 : index
    %get3A_152 = vector.load %arg7[%get3A_150, %get3A_151] : memref<1024x128xbf16, #tpu.memory_space<vmem>>, vector<1024x128xbf16>
    %get3A_153 = arith.constant 0 : index
    %get3A_154 = arith.constant 0 : index
    %get3A_155 = vector.load %arg8[%get3A_153, %get3A_154] : memref<1024x128xbf16, #tpu.memory_space<vmem>>, vector<1024x128xbf16>
    %get3A_156 = arith.constant 0 : index
    %get3A_157 = arith.constant 0 : index
    %get3A_158 = vector.load %arg9[%get3A_156, %get3A_157] : memref<1024x128xbf16, #tpu.memory_space<vmem>>, vector<1024x128xbf16>
    %concatenate3A_159 = tpu.concatenate %get3A_152, %get3A_155, %get3A_158 in 1 : vector<1024x128xbf16>, vector<1024x128xbf16>, vector<1024x128xbf16> -> vector<1024x384xbf16>
    %max3A_160 = arith.constant 0.000000e+00 : bf16
    %max3A_161 = vector.broadcast %max3A_160 : bf16 to vector<1024x384xbf16>
    %max3A_162 = arith.maximumf %concatenate3A_159, %max3A_161 : vector<1024x384xbf16>
    %reduce_max3A_163 = arith.constant dense<0xFF80> : vector<1024xbf16>
    %reduce_max3A_164 = vector.multi_reduction <maximumf>, %max3A_162, %reduce_max3A_163 [1] : vector<1024x384xbf16> to vector<1024xbf16>
    %broadcast_in_dim3A_165 = vector.shape_cast %reduce_max3A_164 : vector<1024xbf16> to vector<1024x1xbf16>
    %eq3A_166 = vector.broadcast %broadcast_in_dim3A_165 : vector<1024x1xbf16> to vector<1024x384xbf16>
    %eq3A_167 = arith.cmpf oeq, %max3A_162, %eq3A_166 : vector<1024x384xbf16>
    %jit3A_168 = arith.constant 0.000000e+00 : bf16
    %broadcast_in_dim3A_169 = vector.broadcast %jit3A_168 : bf16 to vector<1024x384xbf16>
    %select_n3A_170 = arith.select %eq3A_167, %broadcast_in_dim3A_169, %max3A_162 : vector<1024x384xi1>, vector<1024x384xbf16>
    %reduce_max3A_171 = arith.constant dense<0xFF80> : vector<1024xbf16>
    %reduce_max3A_172 = vector.multi_reduction <maximumf>, %select_n3A_170, %reduce_max3A_171 [1] : vector<1024x384xbf16> to vector<1024xbf16>
    %broadcast_in_dim3A_173 = vector.shape_cast %reduce_max3A_172 : vector<1024xbf16> to vector<1024x1xbf16>
    %eq3A_174 = vector.broadcast %broadcast_in_dim3A_173 : vector<1024x1xbf16> to vector<1024x384xbf16>
    %eq3A_175 = arith.cmpf oeq, %select_n3A_170, %eq3A_174 : vector<1024x384xbf16>
    %jit3A_176 = arith.constant 0.000000e+00 : bf16
    %broadcast_in_dim3A_177 = vector.broadcast %jit3A_176 : bf16 to vector<1024x384xbf16>
    %select_n3A_178 = arith.select %eq3A_175, %broadcast_in_dim3A_177, %select_n3A_170 : vector<1024x384xi1>, vector<1024x384xbf16>
    %reduce_max3A_179 = arith.constant dense<0xFF80> : vector<1024xbf16>
    %reduce_max3A_180 = vector.multi_reduction <maximumf>, %select_n3A_178, %reduce_max3A_179 [1] : vector<1024x384xbf16> to vector<1024xbf16>
    %broadcast_in_dim3A_181 = vector.shape_cast %reduce_max3A_180 : vector<1024xbf16> to vector<1024x1xbf16>
    %convert_element_type3A_182 = arith.extf %broadcast_in_dim3A_165 : vector<1024x1xbf16> to vector<1024x1xf32>
    %convert_element_type3A_183 = arith.extf %broadcast_in_dim3A_173 : vector<1024x1xbf16> to vector<1024x1xf32>
    %add3A_184 = arith.addf %convert_element_type3A_182, %convert_element_type3A_183 : vector<1024x1xf32>
    %convert_element_type3A_185 = arith.extf %broadcast_in_dim3A_181 : vector<1024x1xbf16> to vector<1024x1xf32>
    %add3A_186 = arith.addf %add3A_184, %convert_element_type3A_185 : vector<1024x1xf32>
    %mul3A_187 = arith.constant 3.125000e-02 : f32
    %mul3A_188 = vector.broadcast %mul3A_187 : f32 to vector<1024x1xf32>
    %mul3A_189 = arith.mulf %add3A_186, %mul3A_188 : vector<1024x1xf32>
    %gt3A_190 = arith.constant 0.000000e+00 : f32
    %gt3A_191 = arith.cmpf ogt, %reduce_sum3A_38, %gt3A_190 : f32
    %mul3A_192 = arith.mulf %add3A_149, %convert_element_type3A_33 : vector<1024x1xf32>
    %reduce_sum3A_193 = vector.shape_cast %mul3A_192 : vector<1024x1xf32> to vector<1x1024x1xf32>
    %reduce_sum3A_194 = arith.constant dense<0.000000e+00> : vector<1xf32>
    %reduce_sum3A_195 = vector.multi_reduction <add>, %reduce_sum3A_193, %reduce_sum3A_194 [1, 2] : vector<1x1024x1xf32> to vector<1xf32>
    %reduce_sum3A_196 = vector.shape_cast %reduce_sum3A_195 : vector<1xf32> to vector<1x1x1xf32>
    %reduce_sum3A_197 = vector.extract %reduce_sum3A_196[0, 0, 0] : f32 from vector<1x1x1xf32>
    %max3A_198 = arith.constant 1.000000e+00 : f32
    %max3A_199 = arith.maximumf %reduce_sum3A_38, %max3A_198 : f32
    %div3A_200 = arith.divf %reduce_sum3A_197, %max3A_199 : f32
    %jit3A_201 = arith.constant 0.000000e+00 : f32
    %select_n3A_202 = arith.select %gt3A_191, %div3A_200, %jit3A_201 : f32
    %gt3A_203 = arith.constant 0.000000e+00 : f32
    %gt3A_204 = arith.cmpf ogt, %sub3A_40, %gt3A_203 : f32
    %sub3A_205 = arith.constant 1.000000e+00 : f32
    %sub3A_206 = vector.broadcast %sub3A_205 : f32 to vector<1024x1xf32>
    %sub3A_207 = arith.subf %sub3A_206, %convert_element_type3A_33 : vector<1024x1xf32>
    %mul3A_208 = arith.mulf %mul3A_189, %sub3A_207 : vector<1024x1xf32>
    %reduce_sum3A_209 = vector.shape_cast %mul3A_208 : vector<1024x1xf32> to vector<1x1024x1xf32>
    %reduce_sum3A_210 = arith.constant dense<0.000000e+00> : vector<1xf32>
    %reduce_sum3A_211 = vector.multi_reduction <add>, %reduce_sum3A_209, %reduce_sum3A_210 [1, 2] : vector<1x1024x1xf32> to vector<1xf32>
    %reduce_sum3A_212 = vector.shape_cast %reduce_sum3A_211 : vector<1xf32> to vector<1x1x1xf32>
    %reduce_sum3A_213 = vector.extract %reduce_sum3A_212[0, 0, 0] : f32 from vector<1x1x1xf32>
    %mul3A_214 = arith.constant 3.000000e+00 : f32
    %mul3A_215 = arith.mulf %sub3A_40, %mul3A_214 : f32
    %max3A_216 = arith.constant 1.000000e+00 : f32
    %max3A_217 = arith.maximumf %mul3A_215, %max3A_216 : f32
    %div3A_218 = arith.divf %reduce_sum3A_213, %max3A_217 : f32
    %jit3A_219 = arith.constant 0.000000e+00 : f32
    %select_n3A_220 = arith.select %gt3A_204, %div3A_218, %jit3A_219 : f32
    %add3A_221 = arith.addf %add3A_126, %select_n3A_202 : f32
    %add3A_222 = arith.addf %add3A_221, %select_n3A_220 : f32
    %reshape3A = vector.broadcast %add3A_222 : f32 to vector<1x1xf32>
    %swap3A = arith.constant 0 : index
    %swap3A_223 = arith.constant 0 : index
    %swap3A_224 = vector.load %arg14[%swap3A, %swap3A_223] : memref<1x1xf32, #tpu.memory_space<vmem>>, vector<1x1xf32>
    tpu.vector_store %arg14[%swap3A, %swap3A_223], %reshape3A {strides = array<i32>} : memref<1x1xf32, #tpu.memory_space<vmem>>, vector<1x1xf32>,
    return
  }
}

</mosaic_0001>

<sc_bundles>
// kernel: kernel.5.cloned.1.call-start
scs
__scs_entry_jumppad:
0x0: {  	(pc) =	sbr.rel $0x88, $3  }
0x1: {  	(tag) =	ssettag $0x0;
	lr =	simm.s32 $0x1  }
0x2: {  	[smem:$0x3F9D] =	sst lr;
	_ =	strace $0xD0000000  }
0x3: {  	_ = 	snop  }
0x4: {  	_ = 	snop  }
0x5: {  	_ = 	snop  }
0x6: {  	_ = 	snop  }
0x7: {  	_ = 	snop  }
__scs_overlays_trampoline_lowered:
0x8: {  	[smem:$0x3FAC] =	sst s0  }
0x9: {  	[smem:$0x3FAD] =	sst s1  }
0xa: {  	[smem:$0x3FAE] =	sst s2  }
0xb: {  	[smem:$0x3FAF] =	sst s3  }
0xc: {  	[smem:$0x3FB0] =	sst s4  }
0xd: {  	[smem:$0x3FB1] =	sst s5  }
0xe: {  	[smem:$0x3FB2] =	sst s6  }
0xf: {  	[smem:$0x3FB3] =	sst s7  }
0x10: {  	[smem:$0x3FB4] =	sst s8  }
0x11: {  	[smem:$0x3FB5] =	sst s9;
	s0 =	simm.s32 @!p0 $0x0  }
0x12: {  	s1 =	sld [smem:$0x3F9B];
	s0 =	simm.s32 @p0 $0x1  }
0x13: {  	[smem:$0x3FB6] =	sst s0;
	s0 =	simm.s32 @!p1 $0x0  }
0x14: {  	s2 =	sld [smem:$0x3F9A];
	s0 =	simm.s32 @p1 $0x1  }
0x15: {  	[smem:$0x3FB7] =	sst s0;
	s0 =	simm.s32 @!p2 $0x0  }
0x16: {  	s3 =	sld [smem:$0x3FDB];
	s0 =	simm.s32 @p2 $0x1  }
0x17: {  	s4 =	simm.s32 $0x1BF5;
	[smem:$0x3FB9] =	sst s0  }
0x18: {  	s0 =	sld [smem:$0x3F9C];
	_ =	swait.ge [sflag:s4], $0x0  }
0x19: {  	s7 =	sld [smem:$0x3F9D]  }
0x1a: {  	s8 =	sadd.s32 $0xFFFFE003, lr  }
0x1b: {  	s9 =	sadd.s32 $0xFFFFFEF7, lr;
	s5 =	simm.s32 $0xFFFFFFFF;
	p2 =	slt.u32 s8, $0xFFFFF086  }
0x1c: {  	p1 =	slt.u32 s9, $0xF7A;
	s5 =	simm.s32 @!p2 $0x0  }
0x1d: {  	s5 =	simm.s32 @p1 $0x1;
	p0 =	seq.s32 s7, s2  }
0x1e: {  	s7 =	smul.u32 @!p0 $0xF7A, s2;
	p2 =	seq.s32 @!p0 s5, $0x0  }
0x1f: {  	s9 =	smul.u32 $0xF7A, s1;
	s8 =	simm.s32 @!p0 $0x1BF5;
	p2 =	por !p2, p0  }
0x20: {  	[sflag:s8] =	ssyncset.s32 @!p0 $0xFFFFF086;
	s6 =	sadd.s32 @!p0 s3, s7;
	s7 =	simm.s32 @!p0 $0x108  }
0x21: {  	s3 =	sadd.s32 s3, s9;
	s6 =	sadd.s32 @!p0 $0x88, s6;
	s7 =	simm.s32 @p2 $0x1082  }
0x22: {  	[simem:s7], [sflag:s8] =	dma.local @!p0 [hbm:s6], $0xF7A  }
0x23: {  	s9 =	sor.u32 $0xD0000000, s2;
	s6 =	simm.s32 $0x108;
	_ =	swait.ge @!p0 [sflag:s8], $0x0  }
0x24: {  	s3 =	sadd.s32 $0x88, s3;
	s6 =	simm.s32 @!p1 $0x1082;
	[sflag:s4] =	ssyncset.s32 $0xFFFFF086  }
0x25: {  	[simem:s6], [sflag:s4] =	dma.local [hbm:s3], $0xF7A  }
0x26: {  	[smem:$0x3F9D] =	sst s1;
	(tag) =	ssettag s2;
	_ =	strace s9  }
0x27: {  	s1 =	sld [smem:$0x3FAD]  }
0x28: {  	s2 =	sld [smem:$0x3FAE]  }
0x29: {  	s4 =	sld [smem:$0x3FB0]  }
0x2a: {  	p0 =	seq.s32 s5, $0x0;
	s5 =	sld [smem:$0x3FB1]  }
0x2b: {  	s6 =	sld [smem:$0x3FB2]  }
0x2c: {  	s7 =	sld [smem:$0x3FB3]  }
0x2d: {  	s3 =	simm.s32 $0x108;
	s8 =	sld [smem:$0x3FB4]  }
0x2e: {  	s3 =	simm.s32 @!p0 $0x1082;
	s9 =	sld [smem:$0x3FB5]  }
0x2f: {  	lr =	sadd.s32 s0, s3;
	s0 =	sld [smem:$0x3FAC]  }
0x30: {  	s3 =	sld [smem:$0x3FAF]  }
0x31: {  	[smem:$0x3FB8] =	sst s10  }
0x32: {  	s10 =	sld [smem:$0x3FB6];
	_ =	sdelay $0x3  }
0x33: {  	p0 =	seq.s32 s10, $0x1;
	s10 =	sld [smem:$0x3FB8];
	_ =	sdelay $0x3  }
0x34: {  	[smem:$0x3FB8] =	sst s10  }
0x35: {  	s10 =	sld [smem:$0x3FB7];
	_ =	sdelay $0x3  }
0x36: {  	p1 =	seq.s32 s10, $0x1;
	s10 =	sld [smem:$0x3FB8];
	_ =	sdelay $0x3  }
0x37: {  	[smem:$0x3FB8] =	sst s10  }
0x38: {  	s10 =	sld [smem:$0x3FB9]  }
0x39: {  	_ = 	snop;
	(pc) =	sbr.ind lr, $3  }
0x3a: {  	_ = 	snop  }
0x3b: {  	_ = 	snop  }
0x3c: {  	p2 =	seq.s32 s10, $0x1;
	s10 =	sld [smem:$0x3FB8]  }
0x3d: {  	_ =	shalt  }
0x3e: {  	_ =	shalt  }
0x3f: {  	_ =	shalt  }
0x40: {  	_ =	shalt  }
0x41: {  	_ =	shalt  }
0x42: {  	_ =	shalt  }
0x43: {  	_ =	shalt  }
0x44: {  	_ =	shalt  }
0x45: {  	_ =	shalt  }
0x46: {  	_ =	shalt  }
0x47: {  	_ =	shalt  }
0x48: {  	_ =	shalt  }
0x49: {  	_ =	shalt  }
0x4a: {  	_ =	shalt  }
0x4b: {  	_ =	shalt  }
0x4c: {  	_ =	shalt  }
0x4d: {  	_ =	shalt  }
0x4e: {  	_ =	shalt  }
0x4f: {  	_ =	shalt  }
0x50: {  	_ =	shalt  }
0x51: {  	_ =	shalt  }
0x52: {  	_ =	shalt  }
0x53: {  	_ =	shalt  }
0x54: {  	_ =	shalt  }
0x55: {  	_ =	shalt  }
0x56: {  	_ =	shalt  }
0x57: {  	_ =	shalt  }
0x58: {  	_ =	shalt  }
0x59: {  	_ =	shalt  }
0x5a: {  	_ =	shalt  }
0x5b: {  	_ =	shalt  }
0x5c: {  	_ =	shalt  }
0x5d: {  	_ =	shalt  }
0x5e: {  	_ =	shalt  }
0x5f: {  	_ =	shalt  }
0x60: {  	_ =	shalt  }
0x61: {  	_ =	shalt  }
0x62: {  	_ =	shalt  }
0x63: {  	_ =	shalt  }
0x64: {  	_ =	shalt  }
0x65: {  	_ =	shalt  }
0x66: {  	_ =	shalt  }
0x67: {  	_ =	shalt  }
0x68: {  	_ =	shalt  }
0x69: {  	_ =	shalt  }
0x6a: {  	_ =	shalt  }
0x6b: {  	_ =	shalt  }
0x6c: {  	_ =	shalt  }
0x6d: {  	_ =	shalt  }
0x6e: {  	_ =	shalt  }
0x6f: {  	_ =	shalt  }
0x70: {  	_ =	shalt  }
0x71: {  	_ =	shalt  }
0x72: {  	_ =	shalt  }
0x73: {  	_ =	shalt  }
0x74: {  	_ =	shalt  }
0x75: {  	_ =	shalt  }
0x76: {  	_ =	shalt  }
0x77: {  	_ =	shalt  }
0x78: {  	_ =	shalt  }
0x79: {  	_ =	shalt  }
0x7a: {  	_ =	shalt  }
0x7b: {  	_ =	shalt  }
0x7c: {  	_ =	shalt  }
0x7d: {  	_ =	shalt  }
0x7e: {  	_ =	shalt  }
0x7f: {  	_ =	shalt  }
0x80: {  	_ =	shalt  }
0x81: {  	_ =	shalt  }
0x82: {  	_ =	shalt  }
0x83: {  	_ =	shalt  }
0x84: {  	_ =	shalt  }
0x85: {  	_ =	shalt  }
0x86: {  	_ =	shalt  }
0x87: {  	_ =	shalt  }
.Lfunc_end0:
.L_simem_size_0:
called_computation_lowered:
.L_overlay_start_0:
0x88: {  	s2 =	sld [smem:$0x3FD9]  }
0x89: {  	s3 =	sld [smem:$0x3FFE];
	_ =	sdelay $0x1  }
0x8a: {  	s1 =	srdreg.scid  }
0x8b: {  	s0 =	sand.u32 $0x1, s1  }
0x8c: {  	s16 =	sshll.u32 s0, $0xA;
	s2 =	sadd.s32 s3, s2  }
0x8d: {  	s2 =	sadd.s32 s2, s16  }
0x8e: {  	[smem:$0x3FC4] =	sst s2  }
0x8f: {  	_ = 	snop  }
0x90: {  	(tm) =	ssettm $0x1  }
0x91: {  	s17 =	sld [smem:$0x3FFB];
	_ =	sdelay $0x3  }
0x92: {  	_ =	strace s17  }
0x93: {  	s2 =	sld [smem:$0x3FFC];
	_ =	sdelay $0x3  }
0x94: {  	_ =	strace s2  }
0x95: {  	s2 =	sld [smem:$0x3FFD];
	_ =	sdelay $0x3  }
0x96: {  	_ =	strace s2  }
0x97: {  	_ =	strace $0x8FFFFFFF  }
0x98: {  	s18 =	sld [smem:$0x3FDB];
	_ =	sdelay $0x1  }
0x99: {  	s19 =	simm.s32 $_scs_section_size  }
0x9a: {  	s4 =	simm.s32 $_size__tile_overlayer_lowered;
	s5 =	simm.s32 $_tile_overlayer_lowered  }
0x9b: {  	s22 =	simm.s32 $0x1BFF;
	s21 =	sshll.u32 s5, $0x1;
	s2 =	sadd.s32 s19, s18  }
0x9c: {  	s6 =	simm.s32 $0x0;
	s20 =	sshll.u32 s4, $0x1;
	s4 =	sadd.s32 s21, s2  }
0x9d: {  	[timem:s6], [sflag:s22] =	dma.local [hbm:s4], s20  }
0x9e: {  	_ =	swait.ge [sflag:s22], s20  }
0x9f: {  	s3 =	ssub.s32 $0x0, s20;
	[sflag:s22] =	ssyncset.done $0x0  }
0xa0: {  	[sflag:s22] =	ssyncadd.s32 s3;
	_ =	sdelay $0x1  }
0xa1: {  	s23 =	simm.s32 $0x1B8B  }
0xa2: {  	_ =	swait.ge [sflag:s23], $0x1  }
0xa3: {  	[sflag:s23] =	ssyncset.done $0x0  }
0xa4: {  	s25 =	simm.s32 $0x1B8E;
	s24 =	sld [smem:$0x3FFE];
	[sflag:s23] =	ssyncadd.s32 $0xFFFFFFFF  }
0xa5: {  	s26 =	simm.s32 $execute0_lowered;
	[smem:$0x3FD2] =	sst s25  }
0xa6: {  	s4 =	sshll.u32 s26, $0x1;
	_ =	strace $0x80000046;
	[dreg:$0x1] =	wrdreg $0xFFFFFFFF  }
0xa7: {  	s28 =	simm.s32 $_size_execute0_lowered;
	s2 =	sadd.s32 s2, s4;
	[dreg:$0x0] =	wrdreg $0x0  }
0xa8: {  	s4 =	sshll.u32 s28, $0x1;
	[dreg:$0x2] =	wrdreg s2  }
0xa9: {  	[dreg:$0x3] =	wrdreg s4  }
0xaa: {  	[dreg:$0x4] =	wrdreg $0xC0  }
0xab: {  	_ =	task [dreg:s6], $0x5FFFF  }
0xac: {  	[dreg:$0x1] =	wrdreg $0xFFFFFFFF  }
0xad: {  	[dreg:$0x0] =	wrdreg $0x60  }
0xae: {  	[dreg:$0x2] =	wrdreg s24  }
0xaf: {  	[dreg:$0x3] =	wrdreg $0x9  }
0xb0: {  	_ =	task.clear_ibuf [dreg:s6], $0x4FFFF;
	_ =	strace $0x90000046  }
0xb1: {  	s29 =	simm.s32 $0x9;
	_ =	strace $0x80000048  }
0xb2: {  	_ =	swait.ge [sflag:s29], $0x1  }
0xb3: {  	[sflag:s29] =	ssyncadd.s32 $0xFFFFFFFF  }
0xb4: {  	_ =	strace $0x90000048  }
0xb5: {  	_ =	sfence  }
0xb6: {  	s30 =	sld [smem:$0x0];
	_ =	sdelay $0x2  }
0xb7: {  	s31 =	sshll.u32 s1, $0xD;
	s1 =	sshrl.u32 s1, $0x2  }
0xb8: {  	s3 =	sand.u32 $0x4000, s31;
	s1 =	sadd.s32 s1, s30  }
0xb9: {  	s0 =	sor.u32 s3, s0;
	s1 =	sshll.u32 s1, $0x11  }
0xba: {  	s0 =	sor.u32 s1, s0  }
0xbb: {  	s0 =	sadd.s32 $0x8F2B, s0  }
0xbc: {  	[sflag:s0] =	ssyncadd.remote.s32 $0x1  }
0xbd: {  	_ =	sfence.sel $0xFFFF  }
0xbe: {  	[dreg:$0x0] =	wrdreg $0xFFFFFFFF;
	(pc) =	sbr.abs _section_cstart, $3  }
0xbf: {  	[dreg:$0x1] =	wrdreg $0xFFFFFFFF  }
0xc0: {  	_ =	task.clear_ibuf [dreg:s6], $0x2FFFF;
	_ =	strace $0x9FFFFFFF  }
0xc1: {  	(tm) =	ssettm $0x7FFFFFFF  }
tec
execute0_lowered:
.L_overlay_start_1:
0x0: {  	(tag) =	ssettag $0x1  }
0x1: {  	s0 =	rddreg [dreg:$0x0];
	s3 =	srdreg.scid  }
0x2: {  	s2 =	simm.s32 $0x0;
	s1 =	stileid.u32;
	s13 =	simm.s32 $0x80  }
0x3: {  	s14 =	simm.s32 $0x880;
	s15 =	simm.s32 $0x1080;
	s16 =	simm.s32 $0x1880  }
0x4: {  	s17 =	simm.s32 $0x2080;
	s18 =	simm.s32 $0x2880;
	s19 =	simm.s32 $0x3080  }
0x5: {  	s20 =	simm.s32 $0x3880;
	s21 =	simm.s32 $0x1;
	s22 =	simm.s32 $0x4080  }
0x6: {  	s23 =	simm.s32 $0x4880;
	s28 =	simm.s32 $0x6880;
	s29 =	simm.s32 $0x7080  }
0x7: {  	s30 =	simm.s32 $0x7880;
	s31 =	simm.s32 $0x20;
	s5 =	sand.u32 $0x1, s3  }
0x8: {  	[smem:$0x7FF] =	sst s2;
	s4 =	sshll.u32 s1, $0x6;
	s3 =	sadd.s32 $0x75600, s0  }
0x9: {  	s7 =	sadd.s32 $0xE9400, s0;
	s6 =	sshll.u32 s5, $0x5;
	_ =	strace $0x80000047  }
0xa: {  	[dreg:$0x2] =	wrdreg s7;
	s10 =	ssub.s32 $0x2, s5;
	s7 =	sadd.s32 $0x1900, s0  }
0xb: {  	s6 =	sor.u32 s6, s4;
	s4 =	sadd.s32 $0x1800, s0;
	s12 =	sshrl.u32 s10, $0x1  }
0xc: {  	s8 =	sshrl.u32 s6, $0x3;
	s25 =	sshll.u32 s6, $0x6;
	s6 =	sshll.u32 s6, $0x4  }
0xd: {  	s26 =	ssub.s32 s10, s12;
	s24 =	sadd.s32 s8, s0;
	s9 =	sadd.s32 s25, s0  }
0xe: {  	s11 =	sadd.s32 s6, s0;
	s6 =	sadd.s32 $0x75700, s0;
	s25 =	simm.s32 $0x5880  }
0xf: {  	v2 =	vlaneseq.u32;
	s0 =	simm.s32 $0x8080;
	s5 =	sadd.s32 $0x1600, s24;
	s8 =	sadd.s32 $0x106400, s9  }
0x10: {  	vm0 =	vmmov $0xffff;
	v1 =	vshrl.u32 v2, $0x3;
	s12 =	simm.s32 $0x2;
	s9 =	sadd.s32 $0x116400, s9;
	s10 =	sadd.s32 $0x126400, s11  }
0x11: {  	v0 =	vand.u32 $0x7, v2;
	v2 =	vor.u32 $0x8, v2;
	v1 =	vmul.u32 $0x8, v1;
	s11 =	smax.u32 s26, $0x1;
	s24 =	simm.s32 $0x5080;
	s26 =	simm.s32 $0x6080  }
.LBB2_1:
0x12: {  	[tilespmem:s2], [sflag:$0x2] =	stream.linear.gather [hbm4b:s5+s2], $0x20, $0x38;
	[tilespmem:$0x9080] =	vst v63  }
0x13: {  	_ =	swait.ge [sflag:s12], $0x20  }
0x14: {  	[sflag:s12] =	ssyncset.done $0x0  }
0x15: {  	[sflag:s12] =	ssyncadd.s32 $0xFFFFFFE0  }
0x16: {  	v3 =	vld [tilespmem:$0x0];
	_ =	sdelay $0x4  }
0x17: {  	v4 =	vshll.u32 v3, $0x2  }
0x18: {  	v3 =	vand.u32 $0x7, v3;
	v4 =	vand.u32 $0xFFFFFFE0, v4  }
0x19: {  	v3 =	vor.u32 v3, v4  }
0x1a: {  	v4 =	vperm.xlane v3, v0;
	_ =	sdelay $0x1  }
0x1b: {  	v4 =	vadd.s32 v1, v4;
	_ =	sdelay $0x1  }
0x1c: {  	v3 =	vperm.xlane v3, v2;
	_ =	sdelay $0x1  }
0x1d: {  	v3 =	vadd.s32 v1, v3  }
0x1e: {  	[tilespmem:s13], [sflag:$0x1] =	stream.indirect_vreg.gather [hbm4b:s3+s2], $0x80, v4, vm0, $0xb8;
	[tilespmem:$0x9080] =	vst v63  }
0x1f: {  	_ = 	snop  }
0x20: {  	[tilespmem:s14], [sflag:$0x1] =	stream.indirect_vreg.gather [hbm4b:s6+s2], $0x80, v4, vm0, $0xb8;
	[tilespmem:$0x9080] =	vst v63  }
0x21: {  	_ = 	snop  }
0x22: {  	[tilespmem:s15], [sflag:$0x1] =	stream.indirect_vreg.gather [hbm4b:s3+s2], $0x80, v3, vm0, $0xb8;
	[tilespmem:$0x9080] =	vst v63  }
0x23: {  	_ = 	snop  }
0x24: {  	[tilespmem:s16], [sflag:$0x1] =	stream.indirect_vreg.gather [hbm4b:s6+s2], $0x80, v3, vm0, $0xb8;
	[tilespmem:$0x9080] =	vst v63  }
0x25: {  	v3 =	vld [tilespmem:$0x10];
	_ =	sdelay $0x4  }
0x26: {  	v61 =	vshll.u32 v3, $0x2  }
0x27: {  	v3 =	vand.u32 $0x7, v3;
	v4 =	vand.u32 $0xFFFFFFE0, v61  }
0x28: {  	v3 =	vor.u32 v3, v4  }
0x29: {  	v4 =	vperm.xlane v3, v0;
	_ =	sdelay $0x1  }
0x2a: {  	v4 =	vadd.s32 v1, v4;
	_ =	sdelay $0x1  }
0x2b: {  	v3 =	vperm.xlane v3, v2;
	_ =	sdelay $0x1  }
0x2c: {  	v3 =	vadd.s32 v1, v3  }
0x2d: {  	[tilespmem:s17], [sflag:$0x1] =	stream.indirect_vreg.gather [hbm4b:s3+s2], $0x80, v4, vm0, $0xb8;
	[tilespmem:$0x9080] =	vst v63  }
0x2e: {  	_ = 	snop  }
0x2f: {  	[tilespmem:s18], [sflag:$0x1] =	stream.indirect_vreg.gather [hbm4b:s6+s2], $0x80, v4, vm0, $0xb8;
	[tilespmem:$0x9080] =	vst v63  }
0x30: {  	_ = 	snop  }
0x31: {  	[tilespmem:s19], [sflag:$0x1] =	stream.indirect_vreg.gather [hbm4b:s3+s2], $0x80, v3, vm0, $0xb8;
	[tilespmem:$0x9080] =	vst v63  }
0x32: {  	_ = 	snop  }
0x33: {  	[tilespmem:s20], [sflag:$0x1] =	stream.indirect_vreg.gather [hbm4b:s6+s2], $0x80, v3, vm0, $0xb8;
	[tilespmem:$0x9080] =	vst v63  }
0x34: {  	_ =	swait.ge [sflag:s21], $0x4000  }
0x35: {  	[sflag:s21] =	ssyncset.done $0x0  }
0x36: {  	[sflag:s21] =	ssyncadd.s32 $0xFFFFC000  }
0x37: {  	v3 =	vld [tilespmem:$0x0];
	_ =	sdelay $0x4  }
0x38: {  	v62 =	vshll.u32 v3, $0x2  }
0x39: {  	v3 =	vand.u32 $0x7, v3;
	v4 =	vand.u32 $0xFFFFFFE0, v62  }
0x3a: {  	v3 =	vor.u32 v3, v4  }
0x3b: {  	v4 =	vperm.xlane v3, v0;
	_ =	sdelay $0x1  }
0x3c: {  	v4 =	vadd.s32 v1, v4;
	_ =	sdelay $0x1  }
0x3d: {  	v3 =	vperm.xlane v3, v2;
	_ =	sdelay $0x1  }
0x3e: {  	v3 =	vadd.s32 v1, v3  }
0x3f: {  	[tilespmem:s22], [sflag:$0x1] =	stream.indirect_vreg.gather [hbm4b:s4+s2], $0x80, v4, vm0, $0xb8;
	[tilespmem:$0x9080] =	vst v63  }
0x40: {  	_ = 	snop  }
0x41: {  	[tilespmem:s23], [sflag:$0x1] =	stream.indirect_vreg.gather [hbm4b:s7+s2], $0x80, v4, vm0, $0xb8;
	[tilespmem:$0x9080] =	vst v63  }
0x42: {  	_ = 	snop  }
0x43: {  	[tilespmem:s24], [sflag:$0x1] =	stream.indirect_vreg.gather [hbm4b:s4+s2], $0x80, v3, vm0, $0xb8;
	[tilespmem:$0x9080] =	vst v63  }
0x44: {  	_ = 	snop  }
0x45: {  	[tilespmem:s25], [sflag:$0x1] =	stream.indirect_vreg.gather [hbm4b:s7+s2], $0x80, v3, vm0, $0xb8;
	[tilespmem:$0x9080] =	vst v63  }
0x46: {  	v3 =	vld [tilespmem:$0x10];
	_ =	sdelay $0x4  }
0x47: {  	v63 =	vshll.u32 v3, $0x2  }
0x48: {  	v3 =	vand.u32 $0x7, v3;
	v4 =	vand.u32 $0xFFFFFFE0, v63  }
0x49: {  	v3 =	vor.u32 v3, v4  }
0x4a: {  	v4 =	vperm.xlane v3, v0;
	_ =	sdelay $0x1  }
0x4b: {  	v4 =	vadd.s32 v1, v4;
	_ =	sdelay $0x1  }
0x4c: {  	v3 =	vperm.xlane v3, v2;
	_ =	sdelay $0x1  }
0x4d: {  	v3 =	vadd.s32 v1, v3  }
0x4e: {  	[tilespmem:s26], [sflag:$0x1] =	stream.indirect_vreg.gather [hbm4b:s4+s2], $0x80, v4, vm0, $0xb8;
	[tilespmem:$0x9080] =	vst v63  }
0x4f: {  	_ = 	snop  }
0x50: {  	[tilespmem:s28], [sflag:$0x1] =	stream.indirect_vreg.gather [hbm4b:s7+s2], $0x80, v4, vm0, $0xb8;
	[tilespmem:$0x9080] =	vst v63  }
0x51: {  	_ = 	snop  }
0x52: {  	[tilespmem:s29], [sflag:$0x1] =	stream.indirect_vreg.gather [hbm4b:s4+s2], $0x80, v3, vm0, $0xb8;
	[tilespmem:$0x9080] =	vst v63  }
0x53: {  	_ = 	snop  }
0x54: {  	[tilespmem:s30], [sflag:$0x1] =	stream.indirect_vreg.gather [hbm4b:s7+s2], $0x80, v3, vm0, $0xb8;
	[tilespmem:$0x9080] =	vst v63  }
0x55: {  	_ =	swait.ge [sflag:s21], $0x4000  }
0x56: {  	[sflag:s21] =	ssyncset.done $0x0  }
0x57: {  	s1 =	rddreg [dreg:$0x2];
	[sflag:s21] =	ssyncadd.s32 $0xFFFFC000  }
0x58: {  	[tilespmem:s0], [sflag:$0x1] =	stream.indirect.gather [hbm4b:s1+s31], $0x80, s2, s31, $0xb8;
	[tilespmem:$0x9080] =	vst v63  }
0x59: {  	_ =	swait.ge [sflag:s21], $0x1000  }
0x5a: {  	[sflag:s21] =	ssyncset.done $0x0  }
0x5b: {  	[sflag:s21] =	ssyncadd.s32 $0xFFFFF000  }
0x5c: {  	[hbm4b:s8+s2] =	stream.linear.scatter [tilespmem:s13], [sflag:$0x2], $0x4000, $0x38;
	[tilespmem:$0x9080] =	vst v63  }
0x5d: {  	_ =	swait.ge [sflag:s12], $0x4000  }
0x5e: {  	[sflag:s12] =	ssyncset.done $0x0  }
0x5f: {  	[sflag:s12] =	ssyncadd.s32 $0xFFFFC000  }
0x60: {  	[hbm4b:s9+s2] =	stream.linear.scatter [tilespmem:s22], [sflag:$0x2], $0x4000, $0x38;
	[tilespmem:$0x9080] =	vst v63  }
0x61: {  	_ =	swait.ge [sflag:s12], $0x4000  }
0x62: {  	p0 =	sne.s32 s11, $0x1;
	[sflag:s12] =	ssyncset.done $0x0  }
.Ltmp0:
0x63: {  	[sflag:s12] =	ssyncadd.s32 $0xFFFFC000;
	(pc) =	sbr.rel @p0 .LBB2_1-.Ltmp0, $4  }
0x64: {  	[hbm4b:s10+s2] =	stream.linear.scatter [tilespmem:s0], [sflag:$0x2], $0x1000, $0x38;
	[tilespmem:$0x9080] =	vst v63  }
0x65: {  	_ =	swait.ge [sflag:s12], $0x1000  }
0x66: {  	[sflag:s12] =	ssyncset.done $0x0  }
0x67: {  	s11 =	sadd.s32 $0xFFFFFFFF, s11;
	[sflag:s12] =	ssyncadd.s32 $0xFFFFF000  }
0x68: {  	_ =	sfence.sel $0x180000  }
0x69: {  	[bflag:$0x0] =	sbarrier.arrive $0xFFFF  }
0x6a: {  	_ =	strace $0x90000047  }
0x6b: {  	s0 =	stileid.u32;
	[bflag:$0x2] =	sbarrier.arrive $0xFFFF  }
0x6c: {  	p0 =	sne.s32 s0, $0x0;
	s0 =	rddreg [dreg:$0x1]  }
0x6d: {  	s0 =	sadd.s32 @!p0 $0x100000, s0  }
0x6e: {  	[sflag:s0] =	ssyncadd.tile.s32 @!p0 $0x1;
	_ =	shalt  }
.Lfunc_end2:
_tile_overlayer_lowered:
.L_overlay_start_2:
0x6f: {  	(tag) =	ssettag $0x2  }
0x70: {  	s0 =	rddreg [dreg:$0x0];
	s2 =	stileid.u32  }
0x71: {  	s1 =	rddreg [dreg:$0x1];
	p0 =	sne.s32 s2, $0x0  }
0x72: {  	s3 =	rddreg [dreg:$0x2];
	[bflag:$0x3] =	sbarrier.arrive $0xFFFF;
	s2 =	simm.s32 @!p0 $0x1C02  }
0x73: {  	[timem:s3], [sflag:s2] =	dma.local @!p0 [hbm:s0], s1  }
0x74: {  	s0 =	simm.s32 @!p0 $0x2  }
0x75: {  	_ =	swait.ge @!p0 [sflag:s0], s1  }
0x76: {  	s1 =	ssub.s32 @!p0 $0x0, s1;
	[sflag:s0] =	ssyncset.done @!p0 $0x0  }
0x77: {  	[sflag:s0] =	ssyncadd.s32 @!p0 s1  }
0x78: {  	[bflag:$0x3] =	sbarrier.arrive $0xFFFF  }
0x79: {  	_ =	shalt  }

</sc_bundles>
